<compile_context>
chip_gen: v7x
topology: tpu7x:2x2x1
jax: 0.10.2.dev20260603
libtpu: 0.0.44.dev20260713+nightly
codegen_flags: <defaults>
</compile_context>

<pallas_src>
import functools

import jax
import jax.numpy as jnp
from jax import lax
from jax.experimental import pallas as pl
from jax.experimental.pallas import tpu as pltpu
from jax.experimental.pallas import tpu_sc as plsc

BATCH = 16384
NFIELD = 26
EMBED = 16
ROWS = BATCH * NFIELD
NW = 32
RPW = ROWS // NW
CH = 1664
NCH = RPW // CH

_mesh = plsc.VectorSubcoreMesh(core_axis_name="c", subcore_axis_name="s")


@functools.partial(
    pl.kernel,
    mesh=_mesh,
    out_type=jax.ShapeDtypeStruct((ROWS, EMBED), jnp.float32),
    scratch_types=[
        pltpu.VMEM((RPW,), jnp.int32),
        pltpu.VMEM((CH, EMBED), jnp.float32),
        pltpu.VMEM((CH, EMBED), jnp.float32),
        pltpu.VMEM((CH, EMBED), jnp.float32),
        pltpu.VMEM((CH, EMBED), jnp.float32),
        pltpu.SemaphoreType.DMA,
        pltpu.SemaphoreType.DMA,
    ],
    compiler_params=pltpu.CompilerParams(use_tc_tiling_on_sc=False),
)
def _sc_gather(idx_hbm, table_hbm, out_hbm, idx_v, b0, b1, b2, b3, sem_g, sem_w):
    wid = lax.axis_index("s") * 2 + lax.axis_index("c")
    base = wid * RPW
    pltpu.sync_copy(idx_hbm.at[pl.ds(base, RPW)], idx_v)

    bufs = (b0, b1, b2, b3)
    nbuf = len(bufs)

    def fire_gather(j):
        return pltpu.async_copy(
            table_hbm.at[idx_v.at[pl.ds(j * CH, CH)]], bufs[j % nbuf], sem_g)

    def fire_write(j):
        return pltpu.async_copy(
            bufs[j % nbuf], out_hbm.at[pl.ds(base + j * CH, CH)], sem_w)

    g = {j: fire_gather(j) for j in range(min(nbuf, NCH))}
    w = {}
    for j in range(NCH):
        g[j].wait()
        w[j] = fire_write(j)
        nj = j + nbuf
        if nj < NCH:
            w[j].wait()
            g[nj] = fire_gather(nj)
    for j in range(max(0, NCH - nbuf), NCH):
        w[j].wait()


NUM_EMB = 2600001
TB = 32768
KS = TB // 1024
NBLK = (NUM_EMB + TB - 1) // TB
NPAD = NBLK * TB


def _tr_body(t_ref, o_ref):
    xw = jnp.concatenate(
        [t_ref[:, k * 1024:(k + 1) * 1024] for k in range(KS)], axis=0)
    o_ref[...] = xw.T


def _idx_body(x_ref, o_ref):
    x = x_ref[...]
    f = lax.broadcasted_iota(jnp.int32, x.shape, 1) * 100000
    r = jnp.where(x == 0, 0, x + f)
    band = r & (TB - 1)
    o_ref[...] = (r - band) + (band & 1023) * KS + (band >> 10)


def kernel(x, table):
    idx = pl.pallas_call(
        _idx_body,
        out_shape=jax.ShapeDtypeStruct((BATCH, NFIELD), jnp.int32),
    )(x)
    table8 = pl.pallas_call(
        _tr_body,
        grid=(NBLK,),
        in_specs=[pl.BlockSpec((EMBED, TB), lambda i: (0, i))],
        out_specs=pl.BlockSpec((1024, 16 * KS), lambda i: (i, 0)),
        out_shape=jax.ShapeDtypeStruct((NBLK * 1024, 16 * KS), jnp.float32),
    )(table.T)
    out = _sc_gather(idx.reshape(ROWS), table8.reshape(NPAD, EMBED))
    return out.reshape(BATCH, NFIELD, EMBED)

# --- scband reference (transcript-rebuilt; emitter-appended) ---
"""Pipeline reference for scband-features-embedding-38792144617592 (READ-ONLY COPY).

The authoritative reference and input builder live on the scoring server;
editing this copy changes nothing except your own understanding.
"""

import jax, jax.numpy as jnp
import numpy as np

FIELD_DIMS = [100000] * 26
EMBED_DIM = 16
OFFSETS = np.array((0, *np.cumsum(FIELD_DIMS)[:-1]), dtype=np.int64)
NUM_EMB = 1 + int(sum(FIELD_DIMS))
BATCH = 16384


def setup_inputs(seed: int = 0) -> dict:
    key = jax.random.key(seed)
    k1, k2 = jax.random.split(key)
    # values in [0, field_dims[i]] inclusive; 0 means null
    x = jax.random.randint(k1, (BATCH, len(FIELD_DIMS)), 0, 100001, dtype=jnp.int32)
    table = jax.random.normal(k2, (NUM_EMB, EMBED_DIM), dtype=jnp.float32)
    # padding_idx=0 -> row 0 is the all-zero embedding
    table = table.at[0].set(0.0)
    return {"x": x, "table": table}


def reference(x, table):
    offsets = jnp.asarray(OFFSETS, dtype=x.dtype)
    zero_bf = x == 0
    ixs_bf = x + offsets[None, :]
    ixs_bf = jnp.where(zero_bf, 0, ixs_bf)
    out = jnp.take(table, ixs_bf, axis=0)
    # mask to enforce padding_idx semantics (row 0 stays zero, no grad)
    out = out * (~zero_bf)[..., None].astype(out.dtype)
    return out

if __name__ == "__main__":
    import jax
    _d = setup_inputs()
    print(jax.jit(kernel)(*tuple(_d.values())))

</pallas_src>

<mosaic_0001>
#map = affine_map<(d0, d1) -> (0)>
#map1 = affine_map<(d0, d1) -> (0, 0)>
module attributes {stable_mosaic.version = 14 : i64} {
  func.func @_sc_gather(%arg0: i32, %arg1: i32, %arg2: memref<425984xi32, #tpu.memory_space<hbm>>, %arg3: memref<2621440x16xf32, #tpu.memory_space<hbm>>, %arg4: memref<425984x16xf32, #tpu.memory_space<hbm>>, %arg5: memref<13312xi32, #tpu.memory_space<vmem>>, %arg6: memref<1664x16xf32, #tpu.memory_space<vmem>>, %arg7: memref<1664x16xf32, #tpu.memory_space<vmem>>, %arg8: memref<1664x16xf32, #tpu.memory_space<vmem>>, %arg9: memref<1664x16xf32, #tpu.memory_space<vmem>>, %arg10: memref<!tpu.dma_semaphore, #tpu.memory_space<semaphore_mem>>, %arg11: memref<!tpu.dma_semaphore, #tpu.memory_space<semaphore_mem>>) attributes {dimension_semantics = [#tpu.dimension_semantics<core_parallel>, #tpu.dimension_semantics<subcore_parallel>], iteration_bounds = array<i64: 2, 16>, scalar_prefetch = 0 : i64, scratch_operands = 7 : i64, tpu.core_type = #tpu.core_type<sc_vector_subcore>, window_params = [{transform_indices = #map}, {transform_indices = #map1}, {transform_indices = #map1}]} {
    %mul3A = arith.constant 2 : i32
    %mul3A_0 = arith.muli %arg1, %mul3A : i32
    %add3A = arith.addi %mul3A_0, %arg0 : i32
    %mul3A_1 = arith.constant 13312 : i32
    %mul3A_2 = arith.muli %add3A, %mul3A_1 : i32
    "tpu.region"() ({
      %run_scoped3A = tpu.sem_alloc : memref<!tpu.dma_semaphore, #tpu.memory_space<semaphore_mem>>
      %dma_start3A_161 = tpu.memref_slice %arg2[%mul3A_2] : memref<425984xi32, #tpu.memory_space<hbm>> -> memref<13312xi32, #tpu.memory_space<hbm>>
      %dma_start3A_162 = tpu.memref_slice %arg2[%mul3A_2] : memref<425984xi32, #tpu.memory_space<hbm>> -> memref<13312xi32, #tpu.memory_space<hbm>>
      tpu.enqueue_dma source(%dma_start3A_162 : memref<13312xi32, #tpu.memory_space<hbm>>) target(%arg5 : memref<13312xi32, #tpu.memory_space<vmem>>) target_semaphore(%run_scoped3A : memref<!tpu.dma_semaphore, #tpu.memory_space<semaphore_mem>>)
      %dma_wait3A_163 = tpu.memref_slice %arg2[%mul3A_2] : memref<425984xi32, #tpu.memory_space<hbm>> -> memref<13312xi32, #tpu.memory_space<hbm>>
      %dma_wait3A_164 = tpu.memref_slice %arg2[%mul3A_2] : memref<425984xi32, #tpu.memory_space<hbm>> -> memref<13312xi32, #tpu.memory_space<hbm>>
      tpu.wait_dma2 semaphore(%run_scoped3A : memref<!tpu.dma_semaphore, #tpu.memory_space<semaphore_mem>>) src(%dma_wait3A_164 : memref<13312xi32, #tpu.memory_space<hbm>>) dst(%arg5 : memref<13312xi32, #tpu.memory_space<vmem>>)
      tpu.yield
    }) : () -> ()
    %dma_start3A = arith.constant 0 : i32
    %dma_start3A_3 = tpu.memref_slice %arg5[%dma_start3A] : memref<13312xi32, #tpu.memory_space<vmem>> -> memref<1664xi32, #tpu.memory_space<vmem>>
    %dma_start3A_4 = arith.constant 0 : i32
    %dma_start3A_5 = arith.constant 0 : i32
    %dma_start3A_6 = tpu.memref_slice %arg3[%dma_start3A_4, %dma_start3A_5] : memref<2621440x16xf32, #tpu.memory_space<hbm>> -> memref<2621440x16xf32, #tpu.memory_space<hbm>>
    tpu.enqueue_indirect_dma source(%dma_start3A_6 : memref<2621440x16xf32, #tpu.memory_space<hbm>>) target(%arg6 : memref<1664x16xf32, #tpu.memory_space<vmem>>) offsets(%dma_start3A_3 : memref<1664xi32, #tpu.memory_space<vmem>>) semaphore(%arg10 : memref<!tpu.dma_semaphore, #tpu.memory_space<semaphore_mem>>)
    %dma_start3A_7 = arith.constant 1664 : i32
    %dma_start3A_8 = tpu.memref_slice %arg5[%dma_start3A_7] : memref<13312xi32, #tpu.memory_space<vmem>> -> memref<1664xi32, #tpu.memory_space<vmem>>
    %dma_start3A_9 = arith.constant 0 : i32
    %dma_start3A_10 = arith.constant 0 : i32
    %dma_start3A_11 = tpu.memref_slice %arg3[%dma_start3A_9, %dma_start3A_10] : memref<2621440x16xf32, #tpu.memory_space<hbm>> -> memref<2621440x16xf32, #tpu.memory_space<hbm>>
    tpu.enqueue_indirect_dma source(%dma_start3A_11 : memref<2621440x16xf32, #tpu.memory_space<hbm>>) target(%arg7 : memref<1664x16xf32, #tpu.memory_space<vmem>>) offsets(%dma_start3A_8 : memref<1664xi32, #tpu.memory_space<vmem>>) semaphore(%arg10 : memref<!tpu.dma_semaphore, #tpu.memory_space<semaphore_mem>>)
    %dma_start3A_12 = arith.constant 3328 : i32
    %dma_start3A_13 = tpu.memref_slice %arg5[%dma_start3A_12] : memref<13312xi32, #tpu.memory_space<vmem>> -> memref<1664xi32, #tpu.memory_space<vmem>>
    %dma_start3A_14 = arith.constant 0 : i32
    %dma_start3A_15 = arith.constant 0 : i32
    %dma_start3A_16 = tpu.memref_slice %arg3[%dma_start3A_14, %dma_start3A_15] : memref<2621440x16xf32, #tpu.memory_space<hbm>> -> memref<2621440x16xf32, #tpu.memory_space<hbm>>
    tpu.enqueue_indirect_dma source(%dma_start3A_16 : memref<2621440x16xf32, #tpu.memory_space<hbm>>) target(%arg8 : memref<1664x16xf32, #tpu.memory_space<vmem>>) offsets(%dma_start3A_13 : memref<1664xi32, #tpu.memory_space<vmem>>) semaphore(%arg10 : memref<!tpu.dma_semaphore, #tpu.memory_space<semaphore_mem>>)
    %dma_start3A_17 = arith.constant 4992 : i32
    %dma_start3A_18 = tpu.memref_slice %arg5[%dma_start3A_17] : memref<13312xi32, #tpu.memory_space<vmem>> -> memref<1664xi32, #tpu.memory_space<vmem>>
    %dma_start3A_19 = arith.constant 0 : i32
    %dma_start3A_20 = arith.constant 0 : i32
    %dma_start3A_21 = tpu.memref_slice %arg3[%dma_start3A_19, %dma_start3A_20] : memref<2621440x16xf32, #tpu.memory_space<hbm>> -> memref<2621440x16xf32, #tpu.memory_space<hbm>>
    tpu.enqueue_indirect_dma source(%dma_start3A_21 : memref<2621440x16xf32, #tpu.memory_space<hbm>>) target(%arg9 : memref<1664x16xf32, #tpu.memory_space<vmem>>) offsets(%dma_start3A_18 : memref<1664xi32, #tpu.memory_space<vmem>>) semaphore(%arg10 : memref<!tpu.dma_semaphore, #tpu.memory_space<semaphore_mem>>)
    %dma_wait3A = arith.constant 0 : i32
    %dma_wait3A_22 = tpu.memref_slice %arg5[%dma_wait3A] : memref<13312xi32, #tpu.memory_space<vmem>> -> memref<1664xi32, #tpu.memory_space<vmem>>
    %dma_wait3A_23 = arith.constant 0 : i32
    %dma_wait3A_24 = arith.constant 0 : i32
    %dma_wait3A_25 = tpu.memref_slice %arg3[%dma_wait3A_23, %dma_wait3A_24] : memref<2621440x16xf32, #tpu.memory_space<hbm>> -> memref<2621440x16xf32, #tpu.memory_space<hbm>>
    tpu.wait_indirect_dma semaphore(%arg10 : memref<!tpu.dma_semaphore, #tpu.memory_space<semaphore_mem>>) src(%dma_wait3A_25 : memref<2621440x16xf32, #tpu.memory_space<hbm>>) dst(%arg6 : memref<1664x16xf32, #tpu.memory_space<vmem>>)
    %add3A_26 = arith.constant 0 : i32
    %add3A_27 = arith.addi %mul3A_2, %add3A_26 : i32
    %dma_start3A_28 = arith.constant 0 : i32
    %dma_start3A_29 = tpu.memref_slice %arg4[%add3A_27, %dma_start3A_28] : memref<425984x16xf32, #tpu.memory_space<hbm>> -> memref<1664x16xf32, #tpu.memory_space<hbm>>
    %dma_start3A_30 = arith.constant 0 : i32
    %dma_start3A_31 = tpu.memref_slice %arg4[%add3A_27, %dma_start3A_30] : memref<425984x16xf32, #tpu.memory_space<hbm>> -> memref<1664x16xf32, #tpu.memory_space<hbm>>
    tpu.enqueue_dma source(%arg6 : memref<1664x16xf32, #tpu.memory_space<vmem>>) target(%dma_start3A_31 : memref<1664x16xf32, #tpu.memory_space<hbm>>) target_semaphore(%arg11 : memref<!tpu.dma_semaphore, #tpu.memory_space<semaphore_mem>>)
    %dma_wait3A_32 = arith.constant 0 : i32
    %dma_wait3A_33 = tpu.memref_slice %arg4[%add3A_27, %dma_wait3A_32] : memref<425984x16xf32, #tpu.memory_space<hbm>> -> memref<1664x16xf32, #tpu.memory_space<hbm>>
    %dma_wait3A_34 = arith.constant 0 : i32
    %dma_wait3A_35 = tpu.memref_slice %arg4[%add3A_27, %dma_wait3A_34] : memref<425984x16xf32, #tpu.memory_space<hbm>> -> memref<1664x16xf32, #tpu.memory_space<hbm>>
    tpu.wait_dma2 semaphore(%arg11 : memref<!tpu.dma_semaphore, #tpu.memory_space<semaphore_mem>>) src(%arg6 : memref<1664x16xf32, #tpu.memory_space<vmem>>) dst(%dma_wait3A_35 : memref<1664x16xf32, #tpu.memory_space<hbm>>)
    %dma_start3A_36 = arith.constant 6656 : i32
    %dma_start3A_37 = tpu.memref_slice %arg5[%dma_start3A_36] : memref<13312xi32, #tpu.memory_space<vmem>> -> memref<1664xi32, #tpu.memory_space<vmem>>
    %dma_start3A_38 = arith.constant 0 : i32
    %dma_start3A_39 = arith.constant 0 : i32
    %dma_start3A_40 = tpu.memref_slice %arg3[%dma_start3A_38, %dma_start3A_39] : memref<2621440x16xf32, #tpu.memory_space<hbm>> -> memref<2621440x16xf32, #tpu.memory_space<hbm>>
    tpu.enqueue_indirect_dma source(%dma_start3A_40 : memref<2621440x16xf32, #tpu.memory_space<hbm>>) target(%arg6 : memref<1664x16xf32, #tpu.memory_space<vmem>>) offsets(%dma_start3A_37 : memref<1664xi32, #tpu.memory_space<vmem>>) semaphore(%arg10 : memref<!tpu.dma_semaphore, #tpu.memory_space<semaphore_mem>>)
    %dma_wait3A_41 = arith.constant 1664 : i32
    %dma_wait3A_42 = tpu.memref_slice %arg5[%dma_wait3A_41] : memref<13312xi32, #tpu.memory_space<vmem>> -> memref<1664xi32, #tpu.memory_space<vmem>>
    %dma_wait3A_43 = arith.constant 0 : i32
    %dma_wait3A_44 = arith.constant 0 : i32
    %dma_wait3A_45 = tpu.memref_slice %arg3[%dma_wait3A_43, %dma_wait3A_44] : memref<2621440x16xf32, #tpu.memory_space<hbm>> -> memref<2621440x16xf32, #tpu.memory_space<hbm>>
    tpu.wait_indirect_dma semaphore(%arg10 : memref<!tpu.dma_semaphore, #tpu.memory_space<semaphore_mem>>) src(%dma_wait3A_45 : memref<2621440x16xf32, #tpu.memory_space<hbm>>) dst(%arg7 : memref<1664x16xf32, #tpu.memory_space<vmem>>)
    %add3A_46 = arith.constant 1664 : i32
    %add3A_47 = arith.addi %mul3A_2, %add3A_46 : i32
    %dma_start3A_48 = arith.constant 0 : i32
    %dma_start3A_49 = tpu.memref_slice %arg4[%add3A_47, %dma_start3A_48] : memref<425984x16xf32, #tpu.memory_space<hbm>> -> memref<1664x16xf32, #tpu.memory_space<hbm>>
    %dma_start3A_50 = arith.constant 0 : i32
    %dma_start3A_51 = tpu.memref_slice %arg4[%add3A_47, %dma_start3A_50] : memref<425984x16xf32, #tpu.memory_space<hbm>> -> memref<1664x16xf32, #tpu.memory_space<hbm>>
    tpu.enqueue_dma source(%arg7 : memref<1664x16xf32, #tpu.memory_space<vmem>>) target(%dma_start3A_51 : memref<1664x16xf32, #tpu.memory_space<hbm>>) target_semaphore(%arg11 : memref<!tpu.dma_semaphore, #tpu.memory_space<semaphore_mem>>)
    %dma_wait3A_52 = arith.constant 0 : i32
    %dma_wait3A_53 = tpu.memref_slice %arg4[%add3A_47, %dma_wait3A_52] : memref<425984x16xf32, #tpu.memory_space<hbm>> -> memref<1664x16xf32, #tpu.memory_space<hbm>>
    %dma_wait3A_54 = arith.constant 0 : i32
    %dma_wait3A_55 = tpu.memref_slice %arg4[%add3A_47, %dma_wait3A_54] : memref<425984x16xf32, #tpu.memory_space<hbm>> -> memref<1664x16xf32, #tpu.memory_space<hbm>>
    tpu.wait_dma2 semaphore(%arg11 : memref<!tpu.dma_semaphore, #tpu.memory_space<semaphore_mem>>) src(%arg7 : memref<1664x16xf32, #tpu.memory_space<vmem>>) dst(%dma_wait3A_55 : memref<1664x16xf32, #tpu.memory_space<hbm>>)
    %dma_start3A_56 = arith.constant 8320 : i32
    %dma_start3A_57 = tpu.memref_slice %arg5[%dma_start3A_56] : memref<13312xi32, #tpu.memory_space<vmem>> -> memref<1664xi32, #tpu.memory_space<vmem>>
    %dma_start3A_58 = arith.constant 0 : i32
    %dma_start3A_59 = arith.constant 0 : i32
    %dma_start3A_60 = tpu.memref_slice %arg3[%dma_start3A_58, %dma_start3A_59] : memref<2621440x16xf32, #tpu.memory_space<hbm>> -> memref<2621440x16xf32, #tpu.memory_space<hbm>>
    tpu.enqueue_indirect_dma source(%dma_start3A_60 : memref<2621440x16xf32, #tpu.memory_space<hbm>>) target(%arg7 : memref<1664x16xf32, #tpu.memory_space<vmem>>) offsets(%dma_start3A_57 : memref<1664xi32, #tpu.memory_space<vmem>>) semaphore(%arg10 : memref<!tpu.dma_semaphore, #tpu.memory_space<semaphore_mem>>)
    %dma_wait3A_61 = arith.constant 3328 : i32
    %dma_wait3A_62 = tpu.memref_slice %arg5[%dma_wait3A_61] : memref<13312xi32, #tpu.memory_space<vmem>> -> memref<1664xi32, #tpu.memory_space<vmem>>
    %dma_wait3A_63 = arith.constant 0 : i32
    %dma_wait3A_64 = arith.constant 0 : i32
    %dma_wait3A_65 = tpu.memref_slice %arg3[%dma_wait3A_63, %dma_wait3A_64] : memref<2621440x16xf32, #tpu.memory_space<hbm>> -> memref<2621440x16xf32, #tpu.memory_space<hbm>>
    tpu.wait_indirect_dma semaphore(%arg10 : memref<!tpu.dma_semaphore, #tpu.memory_space<semaphore_mem>>) src(%dma_wait3A_65 : memref<2621440x16xf32, #tpu.memory_space<hbm>>) dst(%arg8 : memref<1664x16xf32, #tpu.memory_space<vmem>>)
    %add3A_66 = arith.constant 3328 : i32
    %add3A_67 = arith.addi %mul3A_2, %add3A_66 : i32
    %dma_start3A_68 = arith.constant 0 : i32
    %dma_start3A_69 = tpu.memref_slice %arg4[%add3A_67, %dma_start3A_68] : memref<425984x16xf32, #tpu.memory_space<hbm>> -> memref<1664x16xf32, #tpu.memory_space<hbm>>
    %dma_start3A_70 = arith.constant 0 : i32
    %dma_start3A_71 = tpu.memref_slice %arg4[%add3A_67, %dma_start3A_70] : memref<425984x16xf32, #tpu.memory_space<hbm>> -> memref<1664x16xf32, #tpu.memory_space<hbm>>
    tpu.enqueue_dma source(%arg8 : memref<1664x16xf32, #tpu.memory_space<vmem>>) target(%dma_start3A_71 : memref<1664x16xf32, #tpu.memory_space<hbm>>) target_semaphore(%arg11 : memref<!tpu.dma_semaphore, #tpu.memory_space<semaphore_mem>>)
    %dma_wait3A_72 = arith.constant 0 : i32
    %dma_wait3A_73 = tpu.memref_slice %arg4[%add3A_67, %dma_wait3A_72] : memref<425984x16xf32, #tpu.memory_space<hbm>> -> memref<1664x16xf32, #tpu.memory_space<hbm>>
    %dma_wait3A_74 = arith.constant 0 : i32
    %dma_wait3A_75 = tpu.memref_slice %arg4[%add3A_67, %dma_wait3A_74] : memref<425984x16xf32, #tpu.memory_space<hbm>> -> memref<1664x16xf32, #tpu.memory_space<hbm>>
    tpu.wait_dma2 semaphore(%arg11 : memref<!tpu.dma_semaphore, #tpu.memory_space<semaphore_mem>>) src(%arg8 : memref<1664x16xf32, #tpu.memory_space<vmem>>) dst(%dma_wait3A_75 : memref<1664x16xf32, #tpu.memory_space<hbm>>)
    %dma_start3A_76 = arith.constant 9984 : i32
    %dma_start3A_77 = tpu.memref_slice %arg5[%dma_start3A_76] : memref<13312xi32, #tpu.memory_space<vmem>> -> memref<1664xi32, #tpu.memory_space<vmem>>
    %dma_start3A_78 = arith.constant 0 : i32
    %dma_start3A_79 = arith.constant 0 : i32
    %dma_start3A_80 = tpu.memref_slice %arg3[%dma_start3A_78, %dma_start3A_79] : memref<2621440x16xf32, #tpu.memory_space<hbm>> -> memref<2621440x16xf32, #tpu.memory_space<hbm>>
    tpu.enqueue_indirect_dma source(%dma_start3A_80 : memref<2621440x16xf32, #tpu.memory_space<hbm>>) target(%arg8 : memref<1664x16xf32, #tpu.memory_space<vmem>>) offsets(%dma_start3A_77 : memref<1664xi32, #tpu.memory_space<vmem>>) semaphore(%arg10 : memref<!tpu.dma_semaphore, #tpu.memory_space<semaphore_mem>>)
    %dma_wait3A_81 = arith.constant 4992 : i32
    %dma_wait3A_82 = tpu.memref_slice %arg5[%dma_wait3A_81] : memref<13312xi32, #tpu.memory_space<vmem>> -> memref<1664xi32, #tpu.memory_space<vmem>>
    %dma_wait3A_83 = arith.constant 0 : i32
    %dma_wait3A_84 = arith.constant 0 : i32
    %dma_wait3A_85 = tpu.memref_slice %arg3[%dma_wait3A_83, %dma_wait3A_84] : memref<2621440x16xf32, #tpu.memory_space<hbm>> -> memref<2621440x16xf32, #tpu.memory_space<hbm>>
    tpu.wait_indirect_dma semaphore(%arg10 : memref<!tpu.dma_semaphore, #tpu.memory_space<semaphore_mem>>) src(%dma_wait3A_85 : memref<2621440x16xf32, #tpu.memory_space<hbm>>) dst(%arg9 : memref<1664x16xf32, #tpu.memory_space<vmem>>)
    %add3A_86 = arith.constant 4992 : i32
    %add3A_87 = arith.addi %mul3A_2, %add3A_86 : i32
    %dma_start3A_88 = arith.constant 0 : i32
    %dma_start3A_89 = tpu.memref_slice %arg4[%add3A_87, %dma_start3A_88] : memref<425984x16xf32, #tpu.memory_space<hbm>> -> memref<1664x16xf32, #tpu.memory_space<hbm>>
    %dma_start3A_90 = arith.constant 0 : i32
    %dma_start3A_91 = tpu.memref_slice %arg4[%add3A_87, %dma_start3A_90] : memref<425984x16xf32, #tpu.memory_space<hbm>> -> memref<1664x16xf32, #tpu.memory_space<hbm>>
    tpu.enqueue_dma source(%arg9 : memref<1664x16xf32, #tpu.memory_space<vmem>>) target(%dma_start3A_91 : memref<1664x16xf32, #tpu.memory_space<hbm>>) target_semaphore(%arg11 : memref<!tpu.dma_semaphore, #tpu.memory_space<semaphore_mem>>)
    %dma_wait3A_92 = arith.constant 0 : i32
    %dma_wait3A_93 = tpu.memref_slice %arg4[%add3A_87, %dma_wait3A_92] : memref<425984x16xf32, #tpu.memory_space<hbm>> -> memref<1664x16xf32, #tpu.memory_space<hbm>>
    %dma_wait3A_94 = arith.constant 0 : i32
    %dma_wait3A_95 = tpu.memref_slice %arg4[%add3A_87, %dma_wait3A_94] : memref<425984x16xf32, #tpu.memory_space<hbm>> -> memref<1664x16xf32, #tpu.memory_space<hbm>>
    tpu.wait_dma2 semaphore(%arg11 : memref<!tpu.dma_semaphore, #tpu.memory_space<semaphore_mem>>) src(%arg9 : memref<1664x16xf32, #tpu.memory_space<vmem>>) dst(%dma_wait3A_95 : memref<1664x16xf32, #tpu.memory_space<hbm>>)
    %dma_start3A_96 = arith.constant 11648 : i32
    %dma_start3A_97 = tpu.memref_slice %arg5[%dma_start3A_96] : memref<13312xi32, #tpu.memory_space<vmem>> -> memref<1664xi32, #tpu.memory_space<vmem>>
    %dma_start3A_98 = arith.constant 0 : i32
    %dma_start3A_99 = arith.constant 0 : i32
    %dma_start3A_100 = tpu.memref_slice %arg3[%dma_start3A_98, %dma_start3A_99] : memref<2621440x16xf32, #tpu.memory_space<hbm>> -> memref<2621440x16xf32, #tpu.memory_space<hbm>>
    tpu.enqueue_indirect_dma source(%dma_start3A_100 : memref<2621440x16xf32, #tpu.memory_space<hbm>>) target(%arg9 : memref<1664x16xf32, #tpu.memory_space<vmem>>) offsets(%dma_start3A_97 : memref<1664xi32, #tpu.memory_space<vmem>>) semaphore(%arg10 : memref<!tpu.dma_semaphore, #tpu.memory_space<semaphore_mem>>)
    %dma_wait3A_101 = arith.constant 6656 : i32
    %dma_wait3A_102 = tpu.memref_slice %arg5[%dma_wait3A_101] : memref<13312xi32, #tpu.memory_space<vmem>> -> memref<1664xi32, #tpu.memory_space<vmem>>
    %dma_wait3A_103 = arith.constant 0 : i32
    %dma_wait3A_104 = arith.constant 0 : i32
    %dma_wait3A_105 = tpu.memref_slice %arg3[%dma_wait3A_103, %dma_wait3A_104] : memref<2621440x16xf32, #tpu.memory_space<hbm>> -> memref<2621440x16xf32, #tpu.memory_space<hbm>>
    tpu.wait_indirect_dma semaphore(%arg10 : memref<!tpu.dma_semaphore, #tpu.memory_space<semaphore_mem>>) src(%dma_wait3A_105 : memref<2621440x16xf32, #tpu.memory_space<hbm>>) dst(%arg6 : memref<1664x16xf32, #tpu.memory_space<vmem>>)
    %add3A_106 = arith.constant 6656 : i32
    %add3A_107 = arith.addi %mul3A_2, %add3A_106 : i32
    %dma_start3A_108 = arith.constant 0 : i32
    %dma_start3A_109 = tpu.memref_slice %arg4[%add3A_107, %dma_start3A_108] : memref<425984x16xf32, #tpu.memory_space<hbm>> -> memref<1664x16xf32, #tpu.memory_space<hbm>>
    %dma_start3A_110 = arith.constant 0 : i32
    %dma_start3A_111 = tpu.memref_slice %arg4[%add3A_107, %dma_start3A_110] : memref<425984x16xf32, #tpu.memory_space<hbm>> -> memref<1664x16xf32, #tpu.memory_space<hbm>>
    tpu.enqueue_dma source(%arg6 : memref<1664x16xf32, #tpu.memory_space<vmem>>) target(%dma_start3A_111 : memref<1664x16xf32, #tpu.memory_space<hbm>>) target_semaphore(%arg11 : memref<!tpu.dma_semaphore, #tpu.memory_space<semaphore_mem>>)
    %dma_wait3A_112 = arith.constant 8320 : i32
    %dma_wait3A_113 = tpu.memref_slice %arg5[%dma_wait3A_112] : memref<13312xi32, #tpu.memory_space<vmem>> -> memref<1664xi32, #tpu.memory_space<vmem>>
    %dma_wait3A_114 = arith.constant 0 : i32
    %dma_wait3A_115 = arith.constant 0 : i32
    %dma_wait3A_116 = tpu.memref_slice %arg3[%dma_wait3A_114, %dma_wait3A_115] : memref<2621440x16xf32, #tpu.memory_space<hbm>> -> memref<2621440x16xf32, #tpu.memory_space<hbm>>
    tpu.wait_indirect_dma semaphore(%arg10 : memref<!tpu.dma_semaphore, #tpu.memory_space<semaphore_mem>>) src(%dma_wait3A_116 : memref<2621440x16xf32, #tpu.memory_space<hbm>>) dst(%arg7 : memref<1664x16xf32, #tpu.memory_space<vmem>>)
    %add3A_117 = arith.constant 8320 : i32
    %add3A_118 = arith.addi %mul3A_2, %add3A_117 : i32
    %dma_start3A_119 = arith.constant 0 : i32
    %dma_start3A_120 = tpu.memref_slice %arg4[%add3A_118, %dma_start3A_119] : memref<425984x16xf32, #tpu.memory_space<hbm>> -> memref<1664x16xf32, #tpu.memory_space<hbm>>
    %dma_start3A_121 = arith.constant 0 : i32
    %dma_start3A_122 = tpu.memref_slice %arg4[%add3A_118, %dma_start3A_121] : memref<425984x16xf32, #tpu.memory_space<hbm>> -> memref<1664x16xf32, #tpu.memory_space<hbm>>
    tpu.enqueue_dma source(%arg7 : memref<1664x16xf32, #tpu.memory_space<vmem>>) target(%dma_start3A_122 : memref<1664x16xf32, #tpu.memory_space<hbm>>) target_semaphore(%arg11 : memref<!tpu.dma_semaphore, #tpu.memory_space<semaphore_mem>>)
    %dma_wait3A_123 = arith.constant 9984 : i32
    %dma_wait3A_124 = tpu.memref_slice %arg5[%dma_wait3A_123] : memref<13312xi32, #tpu.memory_space<vmem>> -> memref<1664xi32, #tpu.memory_space<vmem>>
    %dma_wait3A_125 = arith.constant 0 : i32
    %dma_wait3A_126 = arith.constant 0 : i32
    %dma_wait3A_127 = tpu.memref_slice %arg3[%dma_wait3A_125, %dma_wait3A_126] : memref<2621440x16xf32, #tpu.memory_space<hbm>> -> memref<2621440x16xf32, #tpu.memory_space<hbm>>
    tpu.wait_indirect_dma semaphore(%arg10 : memref<!tpu.dma_semaphore, #tpu.memory_space<semaphore_mem>>) src(%dma_wait3A_127 : memref<2621440x16xf32, #tpu.memory_space<hbm>>) dst(%arg8 : memref<1664x16xf32, #tpu.memory_space<vmem>>)
    %add3A_128 = arith.constant 9984 : i32
    %add3A_129 = arith.addi %mul3A_2, %add3A_128 : i32
    %dma_start3A_130 = arith.constant 0 : i32
    %dma_start3A_131 = tpu.memref_slice %arg4[%add3A_129, %dma_start3A_130] : memref<425984x16xf32, #tpu.memory_space<hbm>> -> memref<1664x16xf32, #tpu.memory_space<hbm>>
    %dma_start3A_132 = arith.constant 0 : i32
    %dma_start3A_133 = tpu.memref_slice %arg4[%add3A_129, %dma_start3A_132] : memref<425984x16xf32, #tpu.memory_space<hbm>> -> memref<1664x16xf32, #tpu.memory_space<hbm>>
    tpu.enqueue_dma source(%arg8 : memref<1664x16xf32, #tpu.memory_space<vmem>>) target(%dma_start3A_133 : memref<1664x16xf32, #tpu.memory_space<hbm>>) target_semaphore(%arg11 : memref<!tpu.dma_semaphore, #tpu.memory_space<semaphore_mem>>)
    %dma_wait3A_134 = arith.constant 11648 : i32
    %dma_wait3A_135 = tpu.memref_slice %arg5[%dma_wait3A_134] : memref<13312xi32, #tpu.memory_space<vmem>> -> memref<1664xi32, #tpu.memory_space<vmem>>
    %dma_wait3A_136 = arith.constant 0 : i32
    %dma_wait3A_137 = arith.constant 0 : i32
    %dma_wait3A_138 = tpu.memref_slice %arg3[%dma_wait3A_136, %dma_wait3A_137] : memref<2621440x16xf32, #tpu.memory_space<hbm>> -> memref<2621440x16xf32, #tpu.memory_space<hbm>>
    tpu.wait_indirect_dma semaphore(%arg10 : memref<!tpu.dma_semaphore, #tpu.memory_space<semaphore_mem>>) src(%dma_wait3A_138 : memref<2621440x16xf32, #tpu.memory_space<hbm>>) dst(%arg9 : memref<1664x16xf32, #tpu.memory_space<vmem>>)
    %add3A_139 = arith.constant 11648 : i32
    %add3A_140 = arith.addi %mul3A_2, %add3A_139 : i32
    %dma_start3A_141 = arith.constant 0 : i32
    %dma_start3A_142 = tpu.memref_slice %arg4[%add3A_140, %dma_start3A_141] : memref<425984x16xf32, #tpu.memory_space<hbm>> -> memref<1664x16xf32, #tpu.memory_space<hbm>>
    %dma_start3A_143 = arith.constant 0 : i32
    %dma_start3A_144 = tpu.memref_slice %arg4[%add3A_140, %dma_start3A_143] : memref<425984x16xf32, #tpu.memory_space<hbm>> -> memref<1664x16xf32, #tpu.memory_space<hbm>>
    tpu.enqueue_dma source(%arg9 : memref<1664x16xf32, #tpu.memory_space<vmem>>) target(%dma_start3A_144 : memref<1664x16xf32, #tpu.memory_space<hbm>>) target_semaphore(%arg11 : memref<!tpu.dma_semaphore, #tpu.memory_space<semaphore_mem>>)
    %dma_wait3A_145 = arith.constant 0 : i32
    %dma_wait3A_146 = tpu.memref_slice %arg4[%add3A_107, %dma_wait3A_145] : memref<425984x16xf32, #tpu.memory_space<hbm>> -> memref<1664x16xf32, #tpu.memory_space<hbm>>
    %dma_wait3A_147 = arith.constant 0 : i32
    %dma_wait3A_148 = tpu.memref_slice %arg4[%add3A_107, %dma_wait3A_147] : memref<425984x16xf32, #tpu.memory_space<hbm>> -> memref<1664x16xf32, #tpu.memory_space<hbm>>
    tpu.wait_dma2 semaphore(%arg11 : memref<!tpu.dma_semaphore, #tpu.memory_space<semaphore_mem>>) src(%arg6 : memref<1664x16xf32, #tpu.memory_space<vmem>>) dst(%dma_wait3A_148 : memref<1664x16xf32, #tpu.memory_space<hbm>>)
    %dma_wait3A_149 = arith.constant 0 : i32
    %dma_wait3A_150 = tpu.memref_slice %arg4[%add3A_118, %dma_wait3A_149] : memref<425984x16xf32, #tpu.memory_space<hbm>> -> memref<1664x16xf32, #tpu.memory_space<hbm>>
    %dma_wait3A_151 = arith.constant 0 : i32
    %dma_wait3A_152 = tpu.memref_slice %arg4[%add3A_118, %dma_wait3A_151] : memref<425984x16xf32, #tpu.memory_space<hbm>> -> memref<1664x16xf32, #tpu.memory_space<hbm>>
    tpu.wait_dma2 semaphore(%arg11 : memref<!tpu.dma_semaphore, #tpu.memory_space<semaphore_mem>>) src(%arg7 : memref<1664x16xf32, #tpu.memory_space<vmem>>) dst(%dma_wait3A_152 : memref<1664x16xf32, #tpu.memory_space<hbm>>)
    %dma_wait3A_153 = arith.constant 0 : i32
    %dma_wait3A_154 = tpu.memref_slice %arg4[%add3A_129, %dma_wait3A_153] : memref<425984x16xf32, #tpu.memory_space<hbm>> -> memref<1664x16xf32, #tpu.memory_space<hbm>>
    %dma_wait3A_155 = arith.constant 0 : i32
    %dma_wait3A_156 = tpu.memref_slice %arg4[%add3A_129, %dma_wait3A_155] : memref<425984x16xf32, #tpu.memory_space<hbm>> -> memref<1664x16xf32, #tpu.memory_space<hbm>>
    tpu.wait_dma2 semaphore(%arg11 : memref<!tpu.dma_semaphore, #tpu.memory_space<semaphore_mem>>) src(%arg8 : memref<1664x16xf32, #tpu.memory_space<vmem>>) dst(%dma_wait3A_156 : memref<1664x16xf32, #tpu.memory_space<hbm>>)
    %dma_wait3A_157 = arith.constant 0 : i32
    %dma_wait3A_158 = tpu.memref_slice %arg4[%add3A_140, %dma_wait3A_157] : memref<425984x16xf32, #tpu.memory_space<hbm>> -> memref<1664x16xf32, #tpu.memory_space<hbm>>
    %dma_wait3A_159 = arith.constant 0 : i32
    %dma_wait3A_160 = tpu.memref_slice %arg4[%add3A_140, %dma_wait3A_159] : memref<425984x16xf32, #tpu.memory_space<hbm>> -> memref<1664x16xf32, #tpu.memory_space<hbm>>
    tpu.wait_dma2 semaphore(%arg11 : memref<!tpu.dma_semaphore, #tpu.memory_space<semaphore_mem>>) src(%arg9 : memref<1664x16xf32, #tpu.memory_space<vmem>>) dst(%dma_wait3A_160 : memref<1664x16xf32, #tpu.memory_space<hbm>>)
    return
  }
}

module attributes {stable_mosaic.version = 14 : i64} {
  func.func @_tr_body(%arg0: i32, %arg1: memref<16x32768xf32, #tpu.memory_space<vmem>>, %arg2: memref<1024x512xf32, #tpu.memory_space<vmem>>) attributes {dimension_semantics = [#tpu.dimension_semantics<arbitrary>], iteration_bounds = array<i64: 80>, scalar_prefetch = 0 : i64, scratch_operands = 0 : i64, tpu.core_type = #tpu.core_type<tc>, window_params = [{transform_indices = @transform_0, window_bounds = array<i64: 16, 32768>}, {transform_indices = @transform_1, window_bounds = array<i64: 1024, 512>}]} {
    %get3A = arith.constant 0 : index
    %get3A_0 = arith.constant 0 : index
    %get3A_1 = vector.load %arg1[%get3A, %get3A_0] : memref<16x32768xf32, #tpu.memory_space<vmem>>, vector<16x1024xf32>
    %get3A_2 = arith.constant 0 : index
    %get3A_3 = arith.constant 1024 : index
    %get3A_4 = vector.load %arg1[%get3A_2, %get3A_3] : memref<16x32768xf32, #tpu.memory_space<vmem>>, vector<16x1024xf32>
    %get3A_5 = arith.constant 0 : index
    %get3A_6 = arith.constant 2048 : index
    %get3A_7 = vector.load %arg1[%get3A_5, %get3A_6] : memref<16x32768xf32, #tpu.memory_space<vmem>>, vector<16x1024xf32>
    %get3A_8 = arith.constant 0 : index
    %get3A_9 = arith.constant 3072 : index
    %get3A_10 = vector.load %arg1[%get3A_8, %get3A_9] : memref<16x32768xf32, #tpu.memory_space<vmem>>, vector<16x1024xf32>
    %get3A_11 = arith.constant 0 : index
    %get3A_12 = arith.constant 4096 : index
    %get3A_13 = vector.load %arg1[%get3A_11, %get3A_12] : memref<16x32768xf32, #tpu.memory_space<vmem>>, vector<16x1024xf32>
    %get3A_14 = arith.constant 0 : index
    %get3A_15 = arith.constant 5120 : index
    %get3A_16 = vector.load %arg1[%get3A_14, %get3A_15] : memref<16x32768xf32, #tpu.memory_space<vmem>>, vector<16x1024xf32>
    %get3A_17 = arith.constant 0 : index
    %get3A_18 = arith.constant 6144 : index
    %get3A_19 = vector.load %arg1[%get3A_17, %get3A_18] : memref<16x32768xf32, #tpu.memory_space<vmem>>, vector<16x1024xf32>
    %get3A_20 = arith.constant 0 : index
    %get3A_21 = arith.constant 7168 : index
    %get3A_22 = vector.load %arg1[%get3A_20, %get3A_21] : memref<16x32768xf32, #tpu.memory_space<vmem>>, vector<16x1024xf32>
    %get3A_23 = arith.constant 0 : index
    %get3A_24 = arith.constant 8192 : index
    %get3A_25 = vector.load %arg1[%get3A_23, %get3A_24] : memref<16x32768xf32, #tpu.memory_space<vmem>>, vector<16x1024xf32>
    %get3A_26 = arith.constant 0 : index
    %get3A_27 = arith.constant 9216 : index
    %get3A_28 = vector.load %arg1[%get3A_26, %get3A_27] : memref<16x32768xf32, #tpu.memory_space<vmem>>, vector<16x1024xf32>
    %get3A_29 = arith.constant 0 : index
    %get3A_30 = arith.constant 10240 : index
    %get3A_31 = vector.load %arg1[%get3A_29, %get3A_30] : memref<16x32768xf32, #tpu.memory_space<vmem>>, vector<16x1024xf32>
    %get3A_32 = arith.constant 0 : index
    %get3A_33 = arith.constant 11264 : index
    %get3A_34 = vector.load %arg1[%get3A_32, %get3A_33] : memref<16x32768xf32, #tpu.memory_space<vmem>>, vector<16x1024xf32>
    %get3A_35 = arith.constant 0 : index
    %get3A_36 = arith.constant 12288 : index
    %get3A_37 = vector.load %arg1[%get3A_35, %get3A_36] : memref<16x32768xf32, #tpu.memory_space<vmem>>, vector<16x1024xf32>
    %get3A_38 = arith.constant 0 : index
    %get3A_39 = arith.constant 13312 : index
    %get3A_40 = vector.load %arg1[%get3A_38, %get3A_39] : memref<16x32768xf32, #tpu.memory_space<vmem>>, vector<16x1024xf32>
    %get3A_41 = arith.constant 0 : index
    %get3A_42 = arith.constant 14336 : index
    %get3A_43 = vector.load %arg1[%get3A_41, %get3A_42] : memref<16x32768xf32, #tpu.memory_space<vmem>>, vector<16x1024xf32>
    %get3A_44 = arith.constant 0 : index
    %get3A_45 = arith.constant 15360 : index
    %get3A_46 = vector.load %arg1[%get3A_44, %get3A_45] : memref<16x32768xf32, #tpu.memory_space<vmem>>, vector<16x1024xf32>
    %get3A_47 = arith.constant 0 : index
    %get3A_48 = arith.constant 16384 : index
    %get3A_49 = vector.load %arg1[%get3A_47, %get3A_48] : memref<16x32768xf32, #tpu.memory_space<vmem>>, vector<16x1024xf32>
    %get3A_50 = arith.constant 0 : index
    %get3A_51 = arith.constant 17408 : index
    %get3A_52 = vector.load %arg1[%get3A_50, %get3A_51] : memref<16x32768xf32, #tpu.memory_space<vmem>>, vector<16x1024xf32>
    %get3A_53 = arith.constant 0 : index
    %get3A_54 = arith.constant 18432 : index
    %get3A_55 = vector.load %arg1[%get3A_53, %get3A_54] : memref<16x32768xf32, #tpu.memory_space<vmem>>, vector<16x1024xf32>
    %get3A_56 = arith.constant 0 : index
    %get3A_57 = arith.constant 19456 : index
    %get3A_58 = vector.load %arg1[%get3A_56, %get3A_57] : memref<16x32768xf32, #tpu.memory_space<vmem>>, vector<16x1024xf32>
    %get3A_59 = arith.constant 0 : index
    %get3A_60 = arith.constant 20480 : index
    %get3A_61 = vector.load %arg1[%get3A_59, %get3A_60] : memref<16x32768xf32, #tpu.memory_space<vmem>>, vector<16x1024xf32>
    %get3A_62 = arith.constant 0 : index
    %get3A_63 = arith.constant 21504 : index
    %get3A_64 = vector.load %arg1[%get3A_62, %get3A_63] : memref<16x32768xf32, #tpu.memory_space<vmem>>, vector<16x1024xf32>
    %get3A_65 = arith.constant 0 : index
    %get3A_66 = arith.constant 22528 : index
    %get3A_67 = vector.load %arg1[%get3A_65, %get3A_66] : memref<16x32768xf32, #tpu.memory_space<vmem>>, vector<16x1024xf32>
    %get3A_68 = arith.constant 0 : index
    %get3A_69 = arith.constant 23552 : index
    %get3A_70 = vector.load %arg1[%get3A_68, %get3A_69] : memref<16x32768xf32, #tpu.memory_space<vmem>>, vector<16x1024xf32>
    %get3A_71 = arith.constant 0 : index
    %get3A_72 = arith.constant 24576 : index
    %get3A_73 = vector.load %arg1[%get3A_71, %get3A_72] : memref<16x32768xf32, #tpu.memory_space<vmem>>, vector<16x1024xf32>
    %get3A_74 = arith.constant 0 : index
    %get3A_75 = arith.constant 25600 : index
    %get3A_76 = vector.load %arg1[%get3A_74, %get3A_75] : memref<16x32768xf32, #tpu.memory_space<vmem>>, vector<16x1024xf32>
    %get3A_77 = arith.constant 0 : index
    %get3A_78 = arith.constant 26624 : index
    %get3A_79 = vector.load %arg1[%get3A_77, %get3A_78] : memref<16x32768xf32, #tpu.memory_space<vmem>>, vector<16x1024xf32>
    %get3A_80 = arith.constant 0 : index
    %get3A_81 = arith.constant 27648 : index
    %get3A_82 = vector.load %arg1[%get3A_80, %get3A_81] : memref<16x32768xf32, #tpu.memory_space<vmem>>, vector<16x1024xf32>
    %get3A_83 = arith.constant 0 : index
    %get3A_84 = arith.constant 28672 : index
    %get3A_85 = vector.load %arg1[%get3A_83, %get3A_84] : memref<16x32768xf32, #tpu.memory_space<vmem>>, vector<16x1024xf32>
    %get3A_86 = arith.constant 0 : index
    %get3A_87 = arith.constant 29696 : index
    %get3A_88 = vector.load %arg1[%get3A_86, %get3A_87] : memref<16x32768xf32, #tpu.memory_space<vmem>>, vector<16x1024xf32>
    %get3A_89 = arith.constant 0 : index
    %get3A_90 = arith.constant 30720 : index
    %get3A_91 = vector.load %arg1[%get3A_89, %get3A_90] : memref<16x32768xf32, #tpu.memory_space<vmem>>, vector<16x1024xf32>
    %get3A_92 = arith.constant 0 : index
    %get3A_93 = arith.constant 31744 : index
    %get3A_94 = vector.load %arg1[%get3A_92, %get3A_93] : memref<16x32768xf32, #tpu.memory_space<vmem>>, vector<16x1024xf32>
    %concatenate3A = tpu.concatenate %get3A_1, %get3A_4, %get3A_7, %get3A_10, %get3A_13, %get3A_16, %get3A_19, %get3A_22, %get3A_25, %get3A_28, %get3A_31, %get3A_34, %get3A_37, %get3A_40, %get3A_43, %get3A_46, %get3A_49, %get3A_52, %get3A_55, %get3A_58, %get3A_61, %get3A_64, %get3A_67, %get3A_70, %get3A_73, %get3A_76, %get3A_79, %get3A_82, %get3A_85, %get3A_88, %get3A_91, %get3A_94 in 0 : vector<16x1024xf32>, vector<16x1024xf32>, vector<16x1024xf32>, vector<16x1024xf32>, vector<16x1024xf32>, vector<16x1024xf32>, vector<16x1024xf32>, vector<16x1024xf32>, vector<16x1024xf32>, vector<16x1024xf32>, vector<16x1024xf32>, vector<16x1024xf32>, vector<16x1024xf32>, vector<16x1024xf32>, vector<16x1024xf32>, vector<16x1024xf32>, vector<16x1024xf32>, vector<16x1024xf32>, vector<16x1024xf32>, vector<16x1024xf32>, vector<16x1024xf32>, vector<16x1024xf32>, vector<16x1024xf32>, vector<16x1024xf32>, vector<16x1024xf32>, vector<16x1024xf32>, vector<16x1024xf32>, vector<16x1024xf32>, vector<16x1024xf32>, vector<16x1024xf32>, vector<16x1024xf32>, vector<16x1024xf32> -> vector<512x1024xf32>
    %transpose3A = tpu.transpose %concatenate3A, [1, 0] : vector<512x1024xf32> -> vector<1024x512xf32>
    %swap3A = arith.constant 0 : index
    %swap3A_95 = arith.constant 0 : index
    %swap3A_96 = vector.load %arg2[%swap3A, %swap3A_95] : memref<1024x512xf32, #tpu.memory_space<vmem>>, vector<1024x512xf32>
    tpu.vector_store %arg2[%swap3A, %swap3A_95], %transpose3A {strides = array<i32>} : memref<1024x512xf32, #tpu.memory_space<vmem>>, vector<1024x512xf32>,
    return
  }
  func.func @transform_0(%arg0: i32) -> (i32, i32) {
    %c0_i32 = arith.constant 0 : i32
    %c0_i32_0 = arith.constant 0 : i32
    return %c0_i32, %arg0 : i32, i32
  }
  func.func @transform_1(%arg0: i32) -> (i32, i32) {
    %c0_i32 = arith.constant 0 : i32
    %c0_i32_0 = arith.constant 0 : i32
    return %arg0, %c0_i32 : i32, i32
  }
}

module attributes {stable_mosaic.version = 14 : i64} {
  func.func @_idx_body(%arg0: memref<16384x26xi32, #tpu.memory_space<vmem>>, %arg1: memref<16384x26xi32, #tpu.memory_space<vmem>>) attributes {dimension_semantics = [], scalar_prefetch = 0 : i64, scratch_operands = 0 : i64, tpu.core_type = #tpu.core_type<tc>} {
    %get3A = arith.constant 0 : index
    %get3A_0 = arith.constant 0 : index
    %get3A_1 = vector.load %arg0[%get3A, %get3A_0] : memref<16384x26xi32, #tpu.memory_space<vmem>>, vector<16384x26xi32>
    %iota3A = tpu.iota {dimensions = array<i32: 1>} : vector<16384x26xi32>
    %mul3A = arith.constant 100000 : i32
    %mul3A_2 = vector.broadcast %mul3A : i32 to vector<16384x26xi32>
    %mul3A_3 = arith.muli %iota3A, %mul3A_2 : vector<16384x26xi32>
    %eq3A = arith.constant 0 : i32
    %eq3A_4 = vector.broadcast %eq3A : i32 to vector<16384x26xi32>
    %eq3A_5 = arith.cmpi eq, %get3A_1, %eq3A_4 : vector<16384x26xi32>
    %add3A = arith.addi %get3A_1, %mul3A_3 : vector<16384x26xi32>
    %jit3A = arith.constant 0 : i32
    %broadcast_in_dim3A = vector.broadcast %jit3A : i32 to vector<16384x26xi32>
    %select_n3A = arith.select %eq3A_5, %broadcast_in_dim3A, %add3A : vector<16384x26xi1>, vector<16384x26xi32>
    %and3A = arith.constant 32767 : i32
    %and3A_6 = vector.broadcast %and3A : i32 to vector<16384x26xi32>
    %and3A_7 = arith.andi %select_n3A, %and3A_6 : vector<16384x26xi32>
    %sub3A = arith.subi %select_n3A, %and3A_7 : vector<16384x26xi32>
    %and3A_8 = arith.constant 1023 : i32
    %and3A_9 = vector.broadcast %and3A_8 : i32 to vector<16384x26xi32>
    %and3A_10 = arith.andi %and3A_7, %and3A_9 : vector<16384x26xi32>
    %mul3A_11 = arith.constant 32 : i32
    %mul3A_12 = vector.broadcast %mul3A_11 : i32 to vector<16384x26xi32>
    %mul3A_13 = arith.muli %and3A_10, %mul3A_12 : vector<16384x26xi32>
    %add3A_14 = arith.addi %sub3A, %mul3A_13 : vector<16384x26xi32>
    %shift_right_arithmetic3A = arith.constant 10 : i32
    %shift_right_arithmetic3A_15 = vector.broadcast %shift_right_arithmetic3A : i32 to vector<16384x26xi32>
    %shift_right_arithmetic3A_16 = arith.shrsi %and3A_7, %shift_right_arithmetic3A_15 : vector<16384x26xi32>
    %add3A_17 = arith.addi %add3A_14, %shift_right_arithmetic3A_16 : vector<16384x26xi32>
    %swap3A = arith.constant 0 : index
    %swap3A_18 = arith.constant 0 : index
    %swap3A_19 = vector.load %arg1[%swap3A, %swap3A_18] : memref<16384x26xi32, #tpu.memory_space<vmem>>, vector<16384x26xi32>
    tpu.vector_store %arg1[%swap3A, %swap3A_18], %add3A_17 {strides = array<i32>} : memref<16384x26xi32, #tpu.memory_space<vmem>>, vector<16384x26xi32>,
    return
  }
}

</mosaic_0001>

<sc_bundles>
// kernel: kernel.5.cloned.1.call-start
scs
__scs_entry_jumppad:
0x0: {  	(pc) =	sbr.rel $0x88, $3  }
0x1: {  	(tag) =	ssettag $0x0;
	lr =	simm.s32 $0x1  }
0x2: {  	[smem:$0x3F9F] =	sst lr;
	_ =	strace $0xD0000000  }
0x3: {  	_ = 	snop  }
0x4: {  	_ = 	snop  }
0x5: {  	_ = 	snop  }
0x6: {  	_ = 	snop  }
0x7: {  	_ = 	snop  }
__scs_overlays_trampoline_lowered:
0x8: {  	[smem:$0x3FAE] =	sst s0  }
0x9: {  	[smem:$0x3FAF] =	sst s1  }
0xa: {  	[smem:$0x3FB0] =	sst s2  }
0xb: {  	[smem:$0x3FB1] =	sst s3  }
0xc: {  	[smem:$0x3FB2] =	sst s4  }
0xd: {  	[smem:$0x3FB3] =	sst s5  }
0xe: {  	[smem:$0x3FB4] =	sst s6  }
0xf: {  	[smem:$0x3FB5] =	sst s7  }
0x10: {  	[smem:$0x3FB6] =	sst s8  }
0x11: {  	[smem:$0x3FB7] =	sst s9;
	s0 =	simm.s32 @!p0 $0x0  }
0x12: {  	s1 =	sld [smem:$0x3F9D];
	s0 =	simm.s32 @p0 $0x1  }
0x13: {  	[smem:$0x3FB8] =	sst s0;
	s0 =	simm.s32 @!p1 $0x0  }
0x14: {  	s2 =	sld [smem:$0x3F9C];
	s0 =	simm.s32 @p1 $0x1  }
0x15: {  	[smem:$0x3FB9] =	sst s0;
	s0 =	simm.s32 @!p2 $0x0  }
0x16: {  	s3 =	sld [smem:$0x3FDB];
	s0 =	simm.s32 @p2 $0x1  }
0x17: {  	s4 =	simm.s32 $0x1BF5;
	[smem:$0x3FBB] =	sst s0  }
0x18: {  	s0 =	sld [smem:$0x3F9E];
	_ =	swait.ge [sflag:s4], $0x0  }
0x19: {  	s7 =	sld [smem:$0x3F9F]  }
0x1a: {  	s8 =	sadd.s32 $0xFFFFE003, lr  }
0x1b: {  	s9 =	sadd.s32 $0xFFFFFEF7, lr;
	s5 =	simm.s32 $0xFFFFFFFF;
	p2 =	slt.u32 s8, $0xFFFFF086  }
0x1c: {  	p1 =	slt.u32 s9, $0xF7A;
	s5 =	simm.s32 @!p2 $0x0  }
0x1d: {  	s5 =	simm.s32 @p1 $0x1;
	p0 =	seq.s32 s7, s2  }
0x1e: {  	s7 =	smul.u32 @!p0 $0xF7A, s2;
	p2 =	seq.s32 @!p0 s5, $0x0  }
0x1f: {  	s9 =	smul.u32 $0xF7A, s1;
	s8 =	simm.s32 @!p0 $0x1BF5;
	p2 =	por !p2, p0  }
0x20: {  	[sflag:s8] =	ssyncset.s32 @!p0 $0xFFFFF086;
	s6 =	sadd.s32 @!p0 s3, s7;
	s7 =	simm.s32 @!p0 $0x108  }
0x21: {  	s3 =	sadd.s32 s3, s9;
	s6 =	sadd.s32 @!p0 $0x88, s6;
	s7 =	simm.s32 @p2 $0x1082  }
0x22: {  	[simem:s7], [sflag:s8] =	dma.local @!p0 [hbm:s6], $0xF7A  }
0x23: {  	s9 =	sor.u32 $0xD0000000, s2;
	s6 =	simm.s32 $0x108;
	_ =	swait.ge @!p0 [sflag:s8], $0x0  }
0x24: {  	s3 =	sadd.s32 $0x88, s3;
	s6 =	simm.s32 @!p1 $0x1082;
	[sflag:s4] =	ssyncset.s32 $0xFFFFF086  }
0x25: {  	[simem:s6], [sflag:s4] =	dma.local [hbm:s3], $0xF7A  }
0x26: {  	[smem:$0x3F9F] =	sst s1;
	(tag) =	ssettag s2;
	_ =	strace s9  }
0x27: {  	s1 =	sld [smem:$0x3FAF]  }
0x28: {  	s2 =	sld [smem:$0x3FB0]  }
0x29: {  	s4 =	sld [smem:$0x3FB2]  }
0x2a: {  	p0 =	seq.s32 s5, $0x0;
	s5 =	sld [smem:$0x3FB3]  }
0x2b: {  	s6 =	sld [smem:$0x3FB4]  }
0x2c: {  	s7 =	sld [smem:$0x3FB5]  }
0x2d: {  	s3 =	simm.s32 $0x108;
	s8 =	sld [smem:$0x3FB6]  }
0x2e: {  	s3 =	simm.s32 @!p0 $0x1082;
	s9 =	sld [smem:$0x3FB7]  }
0x2f: {  	lr =	sadd.s32 s0, s3;
	s0 =	sld [smem:$0x3FAE]  }
0x30: {  	s3 =	sld [smem:$0x3FB1]  }
0x31: {  	[smem:$0x3FBA] =	sst s10  }
0x32: {  	s10 =	sld [smem:$0x3FB8];
	_ =	sdelay $0x3  }
0x33: {  	p0 =	seq.s32 s10, $0x1;
	s10 =	sld [smem:$0x3FBA];
	_ =	sdelay $0x3  }
0x34: {  	[smem:$0x3FBA] =	sst s10  }
0x35: {  	s10 =	sld [smem:$0x3FB9];
	_ =	sdelay $0x3  }
0x36: {  	p1 =	seq.s32 s10, $0x1;
	s10 =	sld [smem:$0x3FBA];
	_ =	sdelay $0x3  }
0x37: {  	[smem:$0x3FBA] =	sst s10  }
0x38: {  	s10 =	sld [smem:$0x3FBB]  }
0x39: {  	_ = 	snop;
	(pc) =	sbr.ind lr, $3  }
0x3a: {  	_ = 	snop  }
0x3b: {  	_ = 	snop  }
0x3c: {  	p2 =	seq.s32 s10, $0x1;
	s10 =	sld [smem:$0x3FBA]  }
0x3d: {  	_ =	shalt  }
0x3e: {  	_ =	shalt  }
0x3f: {  	_ =	shalt  }
0x40: {  	_ =	shalt  }
0x41: {  	_ =	shalt  }
0x42: {  	_ =	shalt  }
0x43: {  	_ =	shalt  }
0x44: {  	_ =	shalt  }
0x45: {  	_ =	shalt  }
0x46: {  	_ =	shalt  }
0x47: {  	_ =	shalt  }
0x48: {  	_ =	shalt  }
0x49: {  	_ =	shalt  }
0x4a: {  	_ =	shalt  }
0x4b: {  	_ =	shalt  }
0x4c: {  	_ =	shalt  }
0x4d: {  	_ =	shalt  }
0x4e: {  	_ =	shalt  }
0x4f: {  	_ =	shalt  }
0x50: {  	_ =	shalt  }
0x51: {  	_ =	shalt  }
0x52: {  	_ =	shalt  }
0x53: {  	_ =	shalt  }
0x54: {  	_ =	shalt  }
0x55: {  	_ =	shalt  }
0x56: {  	_ =	shalt  }
0x57: {  	_ =	shalt  }
0x58: {  	_ =	shalt  }
0x59: {  	_ =	shalt  }
0x5a: {  	_ =	shalt  }
0x5b: {  	_ =	shalt  }
0x5c: {  	_ =	shalt  }
0x5d: {  	_ =	shalt  }
0x5e: {  	_ =	shalt  }
0x5f: {  	_ =	shalt  }
0x60: {  	_ =	shalt  }
0x61: {  	_ =	shalt  }
0x62: {  	_ =	shalt  }
0x63: {  	_ =	shalt  }
0x64: {  	_ =	shalt  }
0x65: {  	_ =	shalt  }
0x66: {  	_ =	shalt  }
0x67: {  	_ =	shalt  }
0x68: {  	_ =	shalt  }
0x69: {  	_ =	shalt  }
0x6a: {  	_ =	shalt  }
0x6b: {  	_ =	shalt  }
0x6c: {  	_ =	shalt  }
0x6d: {  	_ =	shalt  }
0x6e: {  	_ =	shalt  }
0x6f: {  	_ =	shalt  }
0x70: {  	_ =	shalt  }
0x71: {  	_ =	shalt  }
0x72: {  	_ =	shalt  }
0x73: {  	_ =	shalt  }
0x74: {  	_ =	shalt  }
0x75: {  	_ =	shalt  }
0x76: {  	_ =	shalt  }
0x77: {  	_ =	shalt  }
0x78: {  	_ =	shalt  }
0x79: {  	_ =	shalt  }
0x7a: {  	_ =	shalt  }
0x7b: {  	_ =	shalt  }
0x7c: {  	_ =	shalt  }
0x7d: {  	_ =	shalt  }
0x7e: {  	_ =	shalt  }
0x7f: {  	_ =	shalt  }
0x80: {  	_ =	shalt  }
0x81: {  	_ =	shalt  }
0x82: {  	_ =	shalt  }
0x83: {  	_ =	shalt  }
0x84: {  	_ =	shalt  }
0x85: {  	_ =	shalt  }
0x86: {  	_ =	shalt  }
0x87: {  	_ =	shalt  }
.Lfunc_end0:
.L_simem_size_0:
called_computation.1_lowered:
.L_overlay_start_0:
0x88: {  	s2 =	sld [smem:$0x3FD9]  }
0x89: {  	s3 =	sld [smem:$0x3FFE];
	_ =	sdelay $0x1  }
0x8a: {  	s1 =	srdreg.scid  }
0x8b: {  	s0 =	sand.u32 $0x1, s1  }
0x8c: {  	s17 =	sshll.u32 s0, $0xA;
	s2 =	sadd.s32 s3, s2  }
0x8d: {  	s2 =	sadd.s32 s2, s17  }
0x8e: {  	[smem:$0x3FC6] =	sst s2  }
0x8f: {  	_ = 	snop  }
0x90: {  	s2 =	sld [smem:$0x3FD0];
	(tm) =	ssettm $0x1  }
0x91: {  	s18 =	sld [smem:$0x3FFB];
	_ =	sdelay $0x3  }
0x92: {  	_ =	strace s18  }
0x93: {  	s3 =	sld [smem:$0x3FFC];
	_ =	sdelay $0x3  }
0x94: {  	_ =	strace s3  }
0x95: {  	s3 =	sld [smem:$0x3FFD];
	_ =	sdelay $0x3  }
0x96: {  	_ =	strace s3  }
0x97: {  	_ =	strace $0x8FFFFFFF  }
0x98: {  	s19 =	sld [smem:$0x3FDB];
	_ =	sdelay $0x1  }
0x99: {  	s4 =	simm.s32 $_scs_section_size  }
0x9a: {  	s5 =	simm.s32 $_size__tile_overlayer_lowered;
	s6 =	simm.s32 $_tile_overlayer_lowered  }
0x9b: {  	s22 =	simm.s32 $0x1BFF;
	s21 =	sshll.u32 s6, $0x1;
	s3 =	sadd.s32 s4, s19  }
0x9c: {  	s7 =	simm.s32 $0x0;
	s20 =	sshll.u32 s5, $0x1;
	s5 =	sadd.s32 s21, s3  }
0x9d: {  	[timem:s7], [sflag:s22] =	dma.local [hbm:s5], s20  }
0x9e: {  	_ =	swait.ge [sflag:s22], s20  }
0x9f: {  	s4 =	ssub.s32 $0x0, s20;
	[sflag:s22] =	ssyncset.done $0x0  }
0xa0: {  	[sflag:s22] =	ssyncadd.s32 s4;
	_ =	sdelay $0x1  }
0xa1: {  	s23 =	simm.s32 $0x1B8B  }
0xa2: {  	_ =	swait.ge [sflag:s23], $0x1  }
0xa3: {  	[sflag:s23] =	ssyncset.done $0x0  }
0xa4: {  	s25 =	simm.s32 $0x1B8E;
	s24 =	sld [smem:$0x3FFE];
	[sflag:s23] =	ssyncadd.s32 $0xFFFFFFFF  }
0xa5: {  	s26 =	simm.s32 $execute0_lowered;
	[smem:$0x3FD2] =	sst s25  }
0xa6: {  	s5 =	sshll.u32 s26, $0x1;
	_ =	strace $0x80000049;
	[dreg:$0x1] =	wrdreg $0xFFFFFFFF  }
0xa7: {  	s28 =	simm.s32 $_size_execute0_lowered;
	s3 =	sadd.s32 s3, s5;
	[dreg:$0x0] =	wrdreg $0x0  }
0xa8: {  	s5 =	sshll.u32 s28, $0x1;
	[dreg:$0x2] =	wrdreg s3  }
0xa9: {  	[dreg:$0x3] =	wrdreg s5  }
0xaa: {  	[dreg:$0x4] =	wrdreg $0xC0  }
0xab: {  	_ =	task [dreg:s7], $0x5FFFF  }
0xac: {  	[dreg:$0x1] =	wrdreg $0xFFFFFFFF  }
0xad: {  	[dreg:$0x0] =	wrdreg $0x60  }
0xae: {  	[dreg:$0x2] =	wrdreg s24  }
0xaf: {  	[dreg:$0x3] =	wrdreg s2  }
0xb0: {  	[dreg:$0x4] =	wrdreg $0x9  }
0xb1: {  	_ =	task.clear_ibuf [dreg:s7], $0x5FFFF;
	_ =	strace $0x90000049  }
0xb2: {  	s29 =	simm.s32 $0x9;
	_ =	strace $0x8000004B  }
0xb3: {  	_ =	swait.ge [sflag:s29], $0x1  }
0xb4: {  	[sflag:s29] =	ssyncadd.s32 $0xFFFFFFFF  }
0xb5: {  	_ =	strace $0x9000004B  }
0xb6: {  	_ =	sfence  }
0xb7: {  	s30 =	sld [smem:$0x0];
	_ =	sdelay $0x2  }
0xb8: {  	s31 =	sshll.u32 s1, $0xD;
	s1 =	sshrl.u32 s1, $0x2  }
0xb9: {  	s3 =	sand.u32 $0x4000, s31;
	s1 =	sadd.s32 s1, s30  }
0xba: {  	s0 =	sor.u32 s3, s0;
	s1 =	sshll.u32 s1, $0x11  }
0xbb: {  	s0 =	sor.u32 s1, s0  }
0xbc: {  	s0 =	sadd.s32 $0x8F2B, s0  }
0xbd: {  	[sflag:s0] =	ssyncadd.remote.s32 $0x1  }
0xbe: {  	_ =	sfence.sel $0xFFFF  }
0xbf: {  	[dreg:$0x0] =	wrdreg $0xFFFFFFFF;
	(pc) =	sbr.abs _section_cstart, $3  }
0xc0: {  	[dreg:$0x1] =	wrdreg $0xFFFFFFFF  }
0xc1: {  	_ =	task.clear_ibuf [dreg:s7], $0x2FFFF;
	_ =	strace $0x9FFFFFFF  }
0xc2: {  	(tm) =	ssettm $0x7FFFFFFF  }
0xc3: {  	_ =	shalt  }
tec
execute0_lowered:
.L_overlay_start_1:
0x0: {  	(tag) =	ssettag $0x1  }
0x1: {  	s1 =	srdreg.scid;
	s0 =	stileid.u32  }
0x2: {  	s28 =	sand.u32 $0x1, s1;
	s31 =	sshll.u32 s0, $0x1  }
0x3: {  	s16 =	sor.u32 s28, s31  }
0x4: {  	s5 =	rddreg [dreg:$0x0];
	s3 =	smul.u32 $0x680, s16  }
0x5: {  	s17 =	rddreg [dreg:$0x1];
	s2 =	simm.s32 $0x0  }
0x6: {  	s4 =	simm.s32 $0x3;
	[smem:$0x7FF] =	sst s2;
	s3 =	sadd.s32 s3, s5  }
0x7: {  	s1 =	rddreg [dreg:$0x2];
	_ =	strace $0x8000004A;
	s3 =	sadd.s32 $0xA00A00, s3  }
0x8: {  	[tilespmem:s2], [sflag:$0x3] =	stream.linear.gather [hbm4b:s3+s2], $0x3400, $0x38;
	[tilespmem:$0x1D400] =	vst v63  }
0x9: {  	_ =	swait.ge [sflag:s4], $0x3400  }
0xa: {  	s6 =	simm.s32 $0x680;
	[sflag:s4] =	ssyncset.done $0x0  }
0xb: {  	s7 =	simm.s32 $0x3400;
	s5 =	sadd.s32 $0x500A00, s5;
	[sflag:s4] =	ssyncadd.s32 $0xFFFFCC00  }
0xc: {  	[tilespmem:s7], [sflag:$0x1] =	stream.indirect.gather [hbm4b:s5+s6], $0x10, s2, s6, $0xb8;
	[tilespmem:$0x1D400] =	vst v63  }
0xd: {  	s8 =	simm.s32 $0x9C00  }
0xe: {  	[tilespmem:s8], [sflag:$0x1] =	stream.indirect.gather [hbm4b:s5+s6], $0x10, s6, s6, $0xb8;
	[tilespmem:$0x1D400] =	vst v63  }
0xf: {  	s9 =	simm.s32 $0xD00;
	s10 =	simm.s32 $0x10400  }
0x10: {  	[tilespmem:s10], [sflag:$0x1] =	stream.indirect.gather [hbm4b:s5+s6], $0x10, s9, s6, $0xb8;
	[tilespmem:$0x1D400] =	vst v63  }
0x11: {  	s11 =	simm.s32 $0x1380;
	s12 =	simm.s32 $0x16C00;
	s13 =	simm.s32 $0x1  }
0x12: {  	[tilespmem:s12], [sflag:$0x1] =	stream.indirect.gather [hbm4b:s5+s6], $0x10, s11, s6, $0xb8;
	[tilespmem:$0x1D400] =	vst v63  }
0x13: {  	s14 =	smul.u32 $0x6800, s16;
	_ =	swait.ge [sflag:s13], $0x6800  }
0x14: {  	[sflag:s13] =	ssyncset.done $0x0  }
0x15: {  	s15 =	sadd.s32 s17, s14;
	s14 =	simm.s32 $0x2;
	[sflag:s13] =	ssyncadd.s32 $0xFFFF9800  }
0x16: {  	[hbm4b:s15+s2] =	stream.linear.scatter [tilespmem:s7], [sflag:$0x2], $0x6800, $0x38;
	[tilespmem:$0x1D400] =	vst v63  }
0x17: {  	_ =	swait.ge [sflag:s14], $0x6800  }
0x18: {  	[sflag:s14] =	ssyncset.done $0x0  }
0x19: {  	s18 =	smul.u32 $0x34000, s16;
	s16 =	simm.s32 $0x1A00;
	[sflag:s14] =	ssyncadd.s32 $0xFFFF9800  }
0x1a: {  	[tilespmem:s7], [sflag:$0x1] =	stream.indirect.gather [hbm4b:s5+s6], $0x10, s16, s6, $0xb8;
	[tilespmem:$0x1D400] =	vst v63  }
0x1b: {  	s18 =	sshrl.u32 s18, $0x3;
	_ =	swait.ge [sflag:s13], $0x6800  }
0x1c: {  	s26 =	sadd.s32 s17, s18;
	[sflag:s13] =	ssyncset.done $0x0  }
0x1d: {  	s17 =	sadd.s32 $0xD00, s26;
	[sflag:s13] =	ssyncadd.s32 $0xFFFF9800  }
0x1e: {  	[hbm4b:s17+s2] =	stream.linear.scatter [tilespmem:s8], [sflag:$0x2], $0x6800, $0x38;
	[tilespmem:$0x1D400] =	vst v63  }
0x1f: {  	_ =	swait.ge [sflag:s14], $0x6800  }
0x20: {  	[sflag:s14] =	ssyncset.done $0x0  }
0x21: {  	s18 =	simm.s32 $0x2080;
	[sflag:s14] =	ssyncadd.s32 $0xFFFF9800  }
0x22: {  	[tilespmem:s8], [sflag:$0x1] =	stream.indirect.gather [hbm4b:s5+s6], $0x10, s18, s6, $0xb8;
	[tilespmem:$0x1D400] =	vst v63  }
0x23: {  	_ =	swait.ge [sflag:s13], $0x6800  }
0x24: {  	[sflag:s13] =	ssyncset.done $0x0  }
0x25: {  	s19 =	sadd.s32 $0x1A00, s26;
	[sflag:s13] =	ssyncadd.s32 $0xFFFF9800  }
0x26: {  	[hbm4b:s19+s2] =	stream.linear.scatter [tilespmem:s10], [sflag:$0x2], $0x6800, $0x38;
	[tilespmem:$0x1D400] =	vst v63  }
0x27: {  	_ =	swait.ge [sflag:s14], $0x6800  }
0x28: {  	[sflag:s14] =	ssyncset.done $0x0  }
0x29: {  	s20 =	simm.s32 $0x2700;
	[sflag:s14] =	ssyncadd.s32 $0xFFFF9800  }
0x2a: {  	[tilespmem:s10], [sflag:$0x1] =	stream.indirect.gather [hbm4b:s5+s6], $0x10, s20, s6, $0xb8;
	[tilespmem:$0x1D400] =	vst v63  }
0x2b: {  	_ =	swait.ge [sflag:s13], $0x6800  }
0x2c: {  	[sflag:s13] =	ssyncset.done $0x0  }
0x2d: {  	s21 =	sadd.s32 $0x2700, s26;
	[sflag:s13] =	ssyncadd.s32 $0xFFFF9800  }
0x2e: {  	[hbm4b:s21+s2] =	stream.linear.scatter [tilespmem:s12], [sflag:$0x2], $0x6800, $0x38;
	[tilespmem:$0x1D400] =	vst v63  }
0x2f: {  	_ =	swait.ge [sflag:s14], $0x6800  }
0x30: {  	[sflag:s14] =	ssyncset.done $0x0  }
0x31: {  	s22 =	simm.s32 $0x2D80;
	[sflag:s14] =	ssyncadd.s32 $0xFFFF9800  }
0x32: {  	[tilespmem:s12], [sflag:$0x1] =	stream.indirect.gather [hbm4b:s5+s6], $0x10, s22, s6, $0xb8;
	[tilespmem:$0x1D400] =	vst v63  }
0x33: {  	_ =	swait.ge [sflag:s13], $0x6800  }
0x34: {  	[sflag:s13] =	ssyncset.done $0x0  }
0x35: {  	s23 =	sadd.s32 $0x3400, s26;
	[sflag:s13] =	ssyncadd.s32 $0xFFFF9800  }
0x36: {  	[hbm4b:s23+s2] =	stream.linear.scatter [tilespmem:s7], [sflag:$0x2], $0x6800, $0x38;
	[tilespmem:$0x1D400] =	vst v63  }
0x37: {  	_ =	swait.ge [sflag:s13], $0x6800  }
0x38: {  	[sflag:s13] =	ssyncset.done $0x0  }
0x39: {  	s24 =	sadd.s32 $0x4100, s26;
	[sflag:s13] =	ssyncadd.s32 $0xFFFF9800  }
0x3a: {  	[hbm4b:s24+s2] =	stream.linear.scatter [tilespmem:s8], [sflag:$0x2], $0x6800, $0x38;
	[tilespmem:$0x1D400] =	vst v63  }
0x3b: {  	_ =	swait.ge [sflag:s13], $0x6800  }
0x3c: {  	[sflag:s13] =	ssyncset.done $0x0  }
0x3d: {  	s25 =	sadd.s32 $0x4E00, s26;
	[sflag:s13] =	ssyncadd.s32 $0xFFFF9800  }
0x3e: {  	[hbm4b:s25+s2] =	stream.linear.scatter [tilespmem:s10], [sflag:$0x2], $0x6800, $0x38;
	[tilespmem:$0x1D400] =	vst v63  }
0x3f: {  	_ =	swait.ge [sflag:s13], $0x6800  }
0x40: {  	[sflag:s13] =	ssyncset.done $0x0  }
0x41: {  	s26 =	sadd.s32 $0x5B00, s26;
	[sflag:s13] =	ssyncadd.s32 $0xFFFF9800  }
0x42: {  	[hbm4b:s26+s2] =	stream.linear.scatter [tilespmem:s12], [sflag:$0x2], $0x6800, $0x38;
	[tilespmem:$0x1D400] =	vst v63  }
0x43: {  	_ =	swait.ge [sflag:s14], $0x6800  }
0x44: {  	s28 =	ssub.s32 $0x2, s28;
	[sflag:s14] =	ssyncset.done $0x0  }
0x45: {  	s29 =	sshrl.u32 s28, $0x1;
	[sflag:s14] =	ssyncadd.s32 $0xFFFF9800  }
0x46: {  	s28 =	ssub.s32 s28, s29;
	_ =	swait.ge [sflag:s14], $0x6800  }
0x47: {  	s28 =	smax.u32 s28, $0x1;
	[sflag:s14] =	ssyncset.done $0x0  }
0x48: {  	p0 =	sne.s32 s28, $0x1;
	[sflag:s14] =	ssyncadd.s32 $0xFFFF9800  }
.Ltmp0:
0x49: {  	_ =	swait.ge [sflag:s14], $0x6800;
	(pc) =	sbr.rel @!p0 .LBB2_2-.Ltmp0, $4  }
0x4a: {  	[sflag:s14] =	ssyncset.done $0x0  }
0x4b: {  	[sflag:s14] =	ssyncadd.s32 $0xFFFF9800  }
0x4c: {  	_ =	swait.ge [sflag:s14], $0x6800  }
0x4d: {  	s28 =	sadd.s32 $0xFFFFFFFF, s28;
	[sflag:s14] =	ssyncset.done $0x0  }
.LBB2_1:
0x4e: {  	p0 =	sne.s32 s28, $0x1;
	s28 =	sadd.s32 $0xFFFFFFFF, s28;
	[sflag:s14] =	ssyncadd.s32 $0xFFFF9800  }
0x4f: {  	[tilespmem:s2], [sflag:$0x3] =	stream.linear.gather [hbm4b:s3+s2], $0x3400, $0x38;
	[tilespmem:$0x1D400] =	vst v63  }
0x50: {  	_ =	swait.ge [sflag:s4], $0x3400  }
0x51: {  	[sflag:s4] =	ssyncset.done $0x0  }
0x52: {  	[sflag:s4] =	ssyncadd.s32 $0xFFFFCC00  }
0x53: {  	[tilespmem:s7], [sflag:$0x1] =	stream.indirect.gather [hbm4b:s5+s6], $0x10, s2, s6, $0xb8;
	[tilespmem:$0x1D400] =	vst v63  }
0x54: {  	_ = 	snop  }
0x55: {  	[tilespmem:s8], [sflag:$0x1] =	stream.indirect.gather [hbm4b:s5+s6], $0x10, s6, s6, $0xb8;
	[tilespmem:$0x1D400] =	vst v63  }
0x56: {  	_ = 	snop  }
0x57: {  	[tilespmem:s10], [sflag:$0x1] =	stream.indirect.gather [hbm4b:s5+s6], $0x10, s9, s6, $0xb8;
	[tilespmem:$0x1D400] =	vst v63  }
0x58: {  	_ = 	snop  }
0x59: {  	[tilespmem:s12], [sflag:$0x1] =	stream.indirect.gather [hbm4b:s5+s6], $0x10, s11, s6, $0xb8;
	[tilespmem:$0x1D400] =	vst v63  }
0x5a: {  	_ =	swait.ge [sflag:s13], $0x6800  }
0x5b: {  	[sflag:s13] =	ssyncset.done $0x0  }
0x5c: {  	[sflag:s13] =	ssyncadd.s32 $0xFFFF9800  }
0x5d: {  	[hbm4b:s15+s2] =	stream.linear.scatter [tilespmem:s7], [sflag:$0x2], $0x6800, $0x38;
	[tilespmem:$0x1D400] =	vst v63  }
0x5e: {  	_ =	swait.ge [sflag:s14], $0x6800  }
0x5f: {  	[sflag:s14] =	ssyncset.done $0x0  }
0x60: {  	[sflag:s14] =	ssyncadd.s32 $0xFFFF9800  }
0x61: {  	[tilespmem:s7], [sflag:$0x1] =	stream.indirect.gather [hbm4b:s5+s6], $0x10, s16, s6, $0xb8;
	[tilespmem:$0x1D400] =	vst v63  }
0x62: {  	_ =	swait.ge [sflag:s13], $0x6800  }
0x63: {  	[sflag:s13] =	ssyncset.done $0x0  }
0x64: {  	[sflag:s13] =	ssyncadd.s32 $0xFFFF9800  }
0x65: {  	[hbm4b:s17+s2] =	stream.linear.scatter [tilespmem:s8], [sflag:$0x2], $0x6800, $0x38;
	[tilespmem:$0x1D400] =	vst v63  }
0x66: {  	_ =	swait.ge [sflag:s14], $0x6800  }
0x67: {  	[sflag:s14] =	ssyncset.done $0x0  }
0x68: {  	[sflag:s14] =	ssyncadd.s32 $0xFFFF9800  }
0x69: {  	[tilespmem:s8], [sflag:$0x1] =	stream.indirect.gather [hbm4b:s5+s6], $0x10, s18, s6, $0xb8;
	[tilespmem:$0x1D400] =	vst v63  }
0x6a: {  	_ =	swait.ge [sflag:s13], $0x6800  }
0x6b: {  	[sflag:s13] =	ssyncset.done $0x0  }
0x6c: {  	[sflag:s13] =	ssyncadd.s32 $0xFFFF9800  }
0x6d: {  	[hbm4b:s19+s2] =	stream.linear.scatter [tilespmem:s10], [sflag:$0x2], $0x6800, $0x38;
	[tilespmem:$0x1D400] =	vst v63  }
0x6e: {  	_ =	swait.ge [sflag:s14], $0x6800  }
0x6f: {  	[sflag:s14] =	ssyncset.done $0x0  }
0x70: {  	[sflag:s14] =	ssyncadd.s32 $0xFFFF9800  }
0x71: {  	[tilespmem:s10], [sflag:$0x1] =	stream.indirect.gather [hbm4b:s5+s6], $0x10, s20, s6, $0xb8;
	[tilespmem:$0x1D400] =	vst v63  }
0x72: {  	_ =	swait.ge [sflag:s13], $0x6800  }
0x73: {  	[sflag:s13] =	ssyncset.done $0x0  }
0x74: {  	[sflag:s13] =	ssyncadd.s32 $0xFFFF9800  }
0x75: {  	[hbm4b:s21+s2] =	stream.linear.scatter [tilespmem:s12], [sflag:$0x2], $0x6800, $0x38;
	[tilespmem:$0x1D400] =	vst v63  }
0x76: {  	_ =	swait.ge [sflag:s14], $0x6800  }
0x77: {  	[sflag:s14] =	ssyncset.done $0x0  }
0x78: {  	[sflag:s14] =	ssyncadd.s32 $0xFFFF9800  }
0x79: {  	[tilespmem:s12], [sflag:$0x1] =	stream.indirect.gather [hbm4b:s5+s6], $0x10, s22, s6, $0xb8;
	[tilespmem:$0x1D400] =	vst v63  }
0x7a: {  	_ =	swait.ge [sflag:s13], $0x6800  }
0x7b: {  	[sflag:s13] =	ssyncset.done $0x0  }
0x7c: {  	[sflag:s13] =	ssyncadd.s32 $0xFFFF9800  }
0x7d: {  	[hbm4b:s23+s2] =	stream.linear.scatter [tilespmem:s7], [sflag:$0x2], $0x6800, $0x38;
	[tilespmem:$0x1D400] =	vst v63  }
0x7e: {  	_ =	swait.ge [sflag:s13], $0x6800  }
0x7f: {  	[sflag:s13] =	ssyncset.done $0x0  }
0x80: {  	[sflag:s13] =	ssyncadd.s32 $0xFFFF9800  }
0x81: {  	[hbm4b:s24+s2] =	stream.linear.scatter [tilespmem:s8], [sflag:$0x2], $0x6800, $0x38;
	[tilespmem:$0x1D400] =	vst v63  }
0x82: {  	_ =	swait.ge [sflag:s13], $0x6800  }
0x83: {  	[sflag:s13] =	ssyncset.done $0x0  }
0x84: {  	[sflag:s13] =	ssyncadd.s32 $0xFFFF9800  }
0x85: {  	[hbm4b:s25+s2] =	stream.linear.scatter [tilespmem:s10], [sflag:$0x2], $0x6800, $0x38;
	[tilespmem:$0x1D400] =	vst v63  }
0x86: {  	_ =	swait.ge [sflag:s13], $0x6800  }
0x87: {  	[sflag:s13] =	ssyncset.done $0x0  }
0x88: {  	[sflag:s13] =	ssyncadd.s32 $0xFFFF9800  }
0x89: {  	[hbm4b:s26+s2] =	stream.linear.scatter [tilespmem:s12], [sflag:$0x2], $0x6800, $0x38;
	[tilespmem:$0x1D400] =	vst v63  }
0x8a: {  	_ =	swait.ge [sflag:s14], $0x6800  }
0x8b: {  	[sflag:s14] =	ssyncset.done $0x0  }
0x8c: {  	[sflag:s14] =	ssyncadd.s32 $0xFFFF9800  }
0x8d: {  	_ =	swait.ge [sflag:s14], $0x6800  }
0x8e: {  	[sflag:s14] =	ssyncset.done $0x0  }
0x8f: {  	[sflag:s14] =	ssyncadd.s32 $0xFFFF9800  }
.Ltmp1:
0x90: {  	_ =	swait.ge [sflag:s14], $0x6800;
	(pc) =	sbr.rel @p0 .LBB2_1-.Ltmp1, $4  }
0x91: {  	[sflag:s14] =	ssyncset.done $0x0  }
0x92: {  	[sflag:s14] =	ssyncadd.s32 $0xFFFF9800  }
0x93: {  	_ =	swait.ge [sflag:s14], $0x6800  }
0x94: {  	[sflag:s14] =	ssyncset.done $0x0  }
.LBB2_2:
0x95: {  	[sflag:s14] =	ssyncadd.s32 $0xFFFF9800  }
0x96: {  	_ =	sfence.sel $0x180000  }
0x97: {  	[bflag:$0x0] =	sbarrier.arrive $0xFFFF  }
0x98: {  	p0 =	sne.s32 s0, $0x0;
	_ =	strace $0x9000004A  }
0x99: {  	s0 =	sadd.s32 @!p0 $0x100000, s1;
	[bflag:$0x2] =	sbarrier.arrive $0xFFFF  }
0x9a: {  	[sflag:s0] =	ssyncadd.tile.s32 @!p0 $0x1;
	_ =	shalt  }
.Lfunc_end2:
_tile_overlayer_lowered:
.L_overlay_start_2:
0x9b: {  	(tag) =	ssettag $0x2  }
0x9c: {  	s0 =	rddreg [dreg:$0x0];
	s2 =	stileid.u32  }
0x9d: {  	s1 =	rddreg [dreg:$0x1];
	p0 =	sne.s32 s2, $0x0  }
0x9e: {  	s3 =	rddreg [dreg:$0x2];
	[bflag:$0x3] =	sbarrier.arrive $0xFFFF;
	s2 =	simm.s32 @!p0 $0x1C03  }
0x9f: {  	[timem:s3], [sflag:s2] =	dma.local @!p0 [hbm:s0], s1  }
0xa0: {  	s0 =	simm.s32 @!p0 $0x3  }
0xa1: {  	_ =	swait.ge @!p0 [sflag:s0], s1  }
0xa2: {  	s1 =	ssub.s32 @!p0 $0x0, s1;
	[sflag:s0] =	ssyncset.done @!p0 $0x0  }
0xa3: {  	[sflag:s0] =	ssyncadd.s32 @!p0 s1  }
0xa4: {  	[bflag:$0x3] =	sbarrier.arrive $0xFFFF  }
0xa5: {  	_ =	shalt  }

// kernel: sparse-core-data-format-call.cloned.1.call-start
scs
called_computation_lowered:
.L_overlay_start_0:
0x0: {  	s1 =	sld [smem:$0x3FD9]  }
0x1: {  	s2 =	sld [smem:$0x3FFE];
	_ =	sdelay $0x1  }
0x2: {  	s3 =	srdreg.scid  }
0x3: {  	s0 =	sand.u32 $0x1, s3  }
0x4: {  	s17 =	sshll.u32 s0, $0xA;
	s1 =	sadd.s32 s2, s1  }
0x5: {  	s1 =	sadd.s32 s1, s17  }
0x6: {  	[smem:$0x3FC6] =	sst s1  }
0x7: {  	_ = 	snop  }
0x8: {  	(tm) =	ssettm $0x1  }
0x9: {  	s18 =	sld [smem:$0x3FFB];
	_ =	sdelay $0x3  }
0xa: {  	_ =	strace s18  }
0xb: {  	s1 =	sld [smem:$0x3FFC];
	_ =	sdelay $0x3  }
0xc: {  	_ =	strace s1  }
0xd: {  	s1 =	sld [smem:$0x3FFD];
	_ =	sdelay $0x3  }
0xe: {  	_ =	strace s1  }
0xf: {  	_ =	strace $0x8FFFFFFF  }
0x10: {  	s19 =	sld [smem:$0x3FDB];
	_ =	sdelay $0x1  }
0x11: {  	s20 =	simm.s32 $_scs_section_size  }
0x12: {  	s4 =	simm.s32 $_size__tile_overlayer_lowered;
	s5 =	simm.s32 $_tile_overlayer_lowered  }
0x13: {  	s23 =	simm.s32 $0x1BFF;
	s22 =	sshll.u32 s5, $0x1;
	s1 =	sadd.s32 s20, s19  }
0x14: {  	s6 =	simm.s32 $0x0;
	s21 =	sshll.u32 s4, $0x1;
	s4 =	sadd.s32 s22, s1  }
0x15: {  	[timem:s6], [sflag:s23] =	dma.local [hbm:s4], s21  }
0x16: {  	_ =	swait.ge [sflag:s23], s21  }
0x17: {  	s2 =	ssub.s32 $0x0, s21;
	[sflag:s23] =	ssyncset.done $0x0  }
0x18: {  	[sflag:s23] =	ssyncadd.s32 s2;
	_ =	sdelay $0x1  }
0x19: {  	s24 =	simm.s32 $0x1B8B  }
0x1a: {  	_ =	swait.ge [sflag:s24], $0x1  }
0x1b: {  	[sflag:s24] =	ssyncset.done $0x0  }
0x1c: {  	s26 =	simm.s32 $0x1B8E;
	s25 =	sld [smem:$0x3FFE];
	[sflag:s24] =	ssyncadd.s32 $0xFFFFFFFF  }
0x1d: {  	s27 =	simm.s32 $execute0_lowered;
	[smem:$0x3FD2] =	sst s26  }
0x1e: {  	s4 =	sshll.u32 s27, $0x1;
	_ =	strace $0x80000046;
	[dreg:$0x1] =	wrdreg $0xFFFFFFFF  }
0x1f: {  	s28 =	simm.s32 $_size_execute0_lowered;
	s1 =	sadd.s32 s1, s4;
	[dreg:$0x0] =	wrdreg $0x0  }
0x20: {  	s4 =	sshll.u32 s28, $0x1;
	[dreg:$0x2] =	wrdreg s1  }
0x21: {  	[dreg:$0x3] =	wrdreg s4  }
0x22: {  	[dreg:$0x4] =	wrdreg $0xC0  }
0x23: {  	_ =	task [dreg:s6], $0x5FFFF  }
0x24: {  	[dreg:$0x1] =	wrdreg $0xFFFFFFFF  }
0x25: {  	[dreg:$0x0] =	wrdreg $0x60  }
0x26: {  	[dreg:$0x2] =	wrdreg s25  }
0x27: {  	[dreg:$0x3] =	wrdreg $0x9  }
0x28: {  	_ =	task.clear_ibuf [dreg:s6], $0x4FFFF;
	_ =	strace $0x90000046  }
0x29: {  	s29 =	simm.s32 $0x9;
	_ =	strace $0x80000048  }
0x2a: {  	_ =	swait.ge [sflag:s29], $0x1  }
0x2b: {  	[sflag:s29] =	ssyncadd.s32 $0xFFFFFFFF  }
0x2c: {  	_ =	strace $0x90000048  }
0x2d: {  	_ =	sfence  }
0x2e: {  	s30 =	sld [smem:$0x0];
	_ =	sdelay $0x2  }
0x2f: {  	s31 =	sshll.u32 s3, $0xD;
	s3 =	sshrl.u32 s3, $0x2  }
0x30: {  	s2 =	sand.u32 $0x4000, s31;
	s1 =	sadd.s32 s3, s30  }
0x31: {  	s0 =	sor.u32 s2, s0;
	s1 =	sshll.u32 s1, $0x11  }
0x32: {  	s0 =	sor.u32 s1, s0  }
0x33: {  	s0 =	sadd.s32 $0x8F2B, s0  }
0x34: {  	[sflag:s0] =	ssyncadd.remote.s32 $0x1  }
0x35: {  	_ =	sfence.sel $0xFFFF  }
0x36: {  	[dreg:$0x0] =	wrdreg $0xFFFFFFFF;
	(pc) =	sbr.abs _section_cstart, $3  }
0x37: {  	[dreg:$0x1] =	wrdreg $0xFFFFFFFF  }
0x38: {  	_ =	task.clear_ibuf [dreg:s6], $0x2FFFF;
	_ =	strace $0x9FFFFFFF  }
0x39: {  	(tm) =	ssettm $0x7FFFFFFF  }
tec
execute0_lowered:
.L_overlay_start_1:
0x0: {  	(tag) =	ssettag $0x1  }
0x1: {  	s0 =	srdreg.scid  }
0x2: {  	s1 =	sshll.u32 s0, $0x4  }
0x3: {  	s4 =	rddreg [dreg:$0x0];
	s0 =	stileid.u32;
	s1 =	sand.u32 $0x10, s1  }
0x4: {  	s7 =	simm.s32 $0x1;
	s8 =	simm.s32 $0x2;
	s1 =	sor.u32 s0, s1  }
0x5: {  	s9 =	simm.s32 $0x0;
	s12 =	simm.s32 $0x0;
	s2 =	sshll.u32 s1, $0x2  }
0x6: {  	s11 =	simm.s32 $0x0;
	s3 =	sadd.s32 $0xA00, s4;
	s6 =	ssub.s32 $0x2800, s2  }
.Ltmp0:
0x7: {  	s4 =	sadd.s32 $0x500A00, s4;
	s5 =	sand.u32 $0x7C, s6;
	(pc) =	sbr.rel .LBB1_1-.Ltmp0, $4  }
0x8: {  	s1 =	rddreg [dreg:$0x1];
	_ =	strace $0x80000047;
	p0 =	sne.s32 s5, $0x0  }
0x9: {  	s6 =	sshrl.u32 s6, $0x7;
	s5 =	simm.s32 $0x1;
	s7 =	simm.s32 @!p0 $0x0  }
0xa: {  	s10 =	smov.u32 s2;
	[sflag:s5] =	ssyncpa.u1 $0x0;
	s6 =	sadd.s32 s7, s6  }
0xb: {  	[sflag:s8] =	ssyncpa.u1 $0x0;
	s8 =	simm.s32 $0x0;
	s7 =	sadd.s32 $0x1, s6  }
.LBB1_9:
0xc: {  	s14 =	sadd.s32 $0x80, s10  }
0xd: {  	p1 =	sgt.s32 s14, $0x27FF  }
0xe: {  	s14 =	smov.u32 @p1 s2;
	p1 =	sne.s32 s11, s7  }
.Ltmp1:
0xf: {  	p0 =	slt.u32 s11, $0x2;
	(pc) =	sbr.rel @!p1 .LBB1_10-.Ltmp1, $4  }
0x10: {  	s13 =	simm.s32 @!p0 $0x2  }
0x11: {  	s15 =	sadd.s32 $0x1, s11;
	_ =	swait.ge @!p0 [sflag:s13], $0x4000  }
0x12: {  	s12 =	smov.u32 s10;
	s9 =	sadd.s32 $0x4000, s9;
	[sflag:s13] =	ssyncset.done @!p0 $0x0  }
0x13: {  	s11 =	smov.u32 s15;
	s10 =	smov.u32 s14;
	[sflag:s13] =	ssyncadd.s32 @!p0 $0xFFFFC000  }
.LBB1_1:
0x14: {  	p0 =	sge.u32 s11, s6  }
0x15: {  	s13 =	sxor.u32 @!p0 $0xFFFFFFFF, s11  }
0x16: {  	s31 =	sadd.s32 $0xFFFFFFFF, s11;
	s14 =	sshll.u32 @!p0 s10, $0x9;
	s13 =	sshll.u32 @!p0 s13, $0xE  }
0x17: {  	s15 =	simm.s32 @!p0 $0x0;
	s14 =	sadd.s32 @!p0 s3, s14;
	s13 =	sand.u32 @!p0 $0x4000, s13  }
0x18: {  	[tilespmem:s13], [sflag:$0x1] =	stream.linear.gather @!p0 [hbm4b:s14+s15], $0x4000, $0x38;
	[tilespmem:$0x10000] =	vst v63  }
0x19: {  	p0 =	sge.u32 s31, s6  }
.Ltmp2:
0x1a: {  	_ = 	snop;
	(pc) =	sbr.rel @p0 .LBB1_9-.Ltmp2, $1  }
0x1b: {  	_ =	sdelay $0x3  }
0x1c: {  	s14 =	sand.u32 $0x4000, s9  }
0x1d: {  	_ =	swait.ge [sflag:s5], $0x4000;
	s15 =	sshll.u32 s11, $0xE;
	s16 =	simm.s32 $0x0  }
0x1e: {  	s13 =	sor.u32 $0x40, s14;
	[sflag:s5] =	ssyncset.done $0x0;
	s15 =	sand.u32 $0x4000, s15  }
0x1f: {  	s14 =	sor.u32 $0x8040, s14;
	[sflag:s5] =	ssyncadd.s32 $0xFFFFC000;
	s15 =	sor.u32 $0x8000, s15  }
.LBB1_3:
0x20: {  	s17 =	smov.u32 s14;
	s18 =	smov.u32 s13;
	s19 =	simm.s32 $0x0  }
.LBB1_4:
0x21: {  	v0 =	vmov s17;
	v2 =	vld [tilespmem:s18+$0x30]  }
0x22: {  	v4 =	vld [tilespmem:s18+$0xFFFFFFD0]  }
0x23: {  	v6 =	vld [tilespmem:s18+$0xFFFFFFE0]  }
0x24: {  	v7 =	vld [tilespmem:s18+$0xFFFFFFF0]  }
0x25: {  	s20 =	simm.s32 $0x0;
	v1 =	vld [tilespmem:s18+$0x0]  }
0x26: {  	v3 =	vld [tilespmem:s18+$0x10];
	[tilespmem:v0+s20+$0x30 ss:$0x1] =	vst.idx.msk $0xffff, v2  }
0x27: {  	v5 =	vld [tilespmem:s18+$0x20];
	[tilespmem:v0+s20+$0xFFFFFFD0 ss:$0x1] =	vst.idx.msk $0xffff, v4  }
0x28: {  	s21 =	sadd.s32 $0x80, s18;
	v2 =	vld [tilespmem:s18+$0xFFFFFFC0];
	[tilespmem:v0+s20+$0xFFFFFFE0 ss:$0x1] =	vst.idx.msk $0xffff, v6  }
0x29: {  	s22 =	simm.s32 $0x800;
	s23 =	simm.s32 $0x1000;
	v4 =	vld [tilespmem:s21+$0x30];
	[tilespmem:v0+s20+$0xFFFFFFF0 ss:$0x1] =	vst.idx.msk $0xffff, v7  }
.LBB1_5:
0x2a: {  	p0 =	sne.s32 s23, $0x3800;
	v6 =	vld [tilespmem:s21+$0xFFFFFFD0];
	[tilespmem:v0+s20+$0x0 ss:$0x1] =	vst.idx.msk $0xffff, v1  }
0x2b: {  	v7 =	vld [tilespmem:s21+$0xFFFFFFE0];
	[tilespmem:v0+s20+$0x10 ss:$0x1] =	vst.idx.msk $0xffff, v3  }
0x2c: {  	v8 =	vld [tilespmem:s21+$0xFFFFFFF0];
	[tilespmem:v0+s20+$0x20 ss:$0x1] =	vst.idx.msk $0xffff, v5  }
.Ltmp3:
0x2d: {  	v1 =	vld [tilespmem:s21+$0x0];
	[tilespmem:v0+s20+$0xFFFFFFC0 ss:$0x1] =	vst.idx.msk $0xffff, v2;
	s20 =	sshra.s32 s22, $0x2;
	s22 =	smov.u32 s23;
	(pc) =	sbr.rel @p0 .LBB1_5-.Ltmp3, $4  }
0x2e: {  	v3 =	vld [tilespmem:s21+$0x10];
	[tilespmem:v0+s20+$0x30 ss:$0x1] =	vst.idx.msk $0xffff, v4  }
0x2f: {  	[tilespmem:v0+s20+$0xFFFFFFD0 ss:$0x1] =	vst.idx.msk $0xffff, v6;
	v5 =	vld [tilespmem:s21+$0x20]  }
0x30: {  	v2 =	vld [tilespmem:s21+$0xFFFFFFC0];
	[tilespmem:v0+s20+$0xFFFFFFE0 ss:$0x1] =	vst.idx.msk $0xffff, v7;
	s21 =	sadd.s32 $0x80, s21  }
0x31: {  	s23 =	sadd.s32 $0x800, s23;
	v4 =	vld [tilespmem:s21+$0x30];
	[tilespmem:v0+s20+$0xFFFFFFF0 ss:$0x1] =	vst.idx.msk $0xffff, v8  }
0x32: {  	_ =	sdelay $0x3  }
0x33: {  	v6 =	vld [tilespmem:s21+$0xFFFFFFD0];
	[tilespmem:v0+s20+$0x0 ss:$0x1] =	vst.idx.msk $0xffff, v1  }
0x34: {  	v58 =	vld [tilespmem:s21+$0xFFFFFFE0];
	[tilespmem:v0+s20+$0x10 ss:$0x1] =	vst.idx.msk $0xffff, v3  }
0x35: {  	v59 =	vld [tilespmem:s21+$0xFFFFFFF0];
	[tilespmem:v0+s20+$0x20 ss:$0x1] =	vst.idx.msk $0xffff, v5  }
0x36: {  	s22 =	sshra.s32 s22, $0x2;
	v60 =	vld [tilespmem:s21+$0x0];
	[tilespmem:v0+s20+$0xFFFFFFC0 ss:$0x1] =	vst.idx.msk $0xffff, v2  }
0x37: {  	v61 =	vld [tilespmem:s21+$0x10];
	[tilespmem:v0+s22+$0x30 ss:$0x1] =	vst.idx.msk $0xffff, v4  }
0x38: {  	v62 =	vld [tilespmem:s21+$0x20];
	s19 =	sadd.s32 $0x1, s19;
	[tilespmem:v0+s22+$0xFFFFFFD0 ss:$0x1] =	vst.idx.msk $0xffff, v6  }
0x39: {  	v63 =	vld [tilespmem:s21+$0xFFFFFFC0];
	p0 =	sne.s32 s19, $0x4;
	[tilespmem:v0+s22+$0xFFFFFFE0 ss:$0x1] =	vst.idx.msk $0xffff, v58  }
.Ltmp4:
0x3a: {  	[tilespmem:v0+s22+$0xFFFFFFF0 ss:$0x1] =	vst.idx.msk $0xffff, v59;
	(pc) =	sbr.rel @p0 .LBB1_4-.Ltmp4, $4  }
0x3b: {  	[tilespmem:v0+s22+$0x0 ss:$0x1] =	vst.idx.msk $0xffff, v60  }
0x3c: {  	[tilespmem:v0+s22+$0x10 ss:$0x1] =	vst.idx.msk $0xffff, v61  }
0x3d: {  	[tilespmem:v0+s22+$0x20 ss:$0x1] =	vst.idx.msk $0xffff, v62  }
0x3e: {  	s18 =	sadd.s32 $0x400, s18;
	s17 =	sadd.s32 $0x80, s17;
	[tilespmem:v0+s22+$0xFFFFFFC0 ss:$0x1] =	vst.idx.msk $0xffff, v63  }
0x3f: {  	s16 =	sadd.s32 $0x1, s16  }
0x40: {  	p0 =	sne.s32 s16, $0x4  }
.Ltmp5:
0x41: {  	_ = 	snop;
	(pc) =	sbr.rel @p0 .LBB1_3-.Ltmp5, $2  }
0x42: {  	_ =	sdelay $0x2  }
0x43: {  	s13 =	sadd.s32 $0x1000, s13;
	s14 =	sadd.s32 $0x1000, s14  }
.Ltmp6:
0x44: {  	(pc) =	sbr.rel .LBB1_9-.Ltmp6, $4  }
0x45: {  	_ = 	snop  }
0x46: {  	s12 =	sshll.u32 s12, $0x9  }
0x47: {  	s12 =	sadd.s32 s4, s12  }
0x48: {  	[hbm4b:s12+s8] =	stream.linear.scatter [tilespmem:s15], [sflag:$0x2], $0x4000, $0x38;
	[tilespmem:$0x10000] =	vst v63  }
.LBB1_10:
0x49: {  	_ =	sfence.sel $0x180000  }
0x4a: {  	s2 =	simm.s32 $0x1;
	[bflag:$0x0] =	sbarrier.arrive $0xFFFF  }
0x4b: {  	s31 =	simm.s32 $0x2;
	[sflag:s2] =	ssyncpa.u1 $0x1  }
0x4c: {  	[sflag:s31] =	ssyncpa.u1 $0x1  }
0x4d: {  	p0 =	sne.s32 s0, $0x0;
	_ =	strace $0x90000047  }
0x4e: {  	s0 =	sadd.s32 @!p0 $0x100000, s1;
	[bflag:$0x2] =	sbarrier.arrive $0xFFFF  }
0x4f: {  	[sflag:s0] =	ssyncadd.tile.s32 @!p0 $0x1;
	_ =	shalt  }
.Lfunc_end1:
_tile_overlayer_lowered:
.L_overlay_start_2:
0x50: {  	(tag) =	ssettag $0x2  }
0x51: {  	s0 =	rddreg [dreg:$0x0];
	s2 =	stileid.u32  }
0x52: {  	s1 =	rddreg [dreg:$0x1];
	p0 =	sne.s32 s2, $0x0  }
0x53: {  	s3 =	rddreg [dreg:$0x2];
	[bflag:$0x3] =	sbarrier.arrive $0xFFFF;
	s2 =	simm.s32 @!p0 $0x1C01  }
0x54: {  	[timem:s3], [sflag:s2] =	dma.local @!p0 [hbm:s0], s1  }
0x55: {  	s0 =	simm.s32 @!p0 $0x1  }
0x56: {  	_ =	swait.ge @!p0 [sflag:s0], s1  }
0x57: {  	s1 =	ssub.s32 @!p0 $0x0, s1;
	[sflag:s0] =	ssyncset.done @!p0 $0x0  }
0x58: {  	[sflag:s0] =	ssyncadd.s32 @!p0 s1  }
0x59: {  	[bflag:$0x3] =	sbarrier.arrive $0xFFFF  }
0x5a: {  	_ =	shalt  }

</sc_bundles>
